<compile_context>
chip_gen: v7x
topology: tpu7x:2x2x1
jax: 0.10.2.dev20260603
libtpu: 0.0.44.dev20260713+nightly
codegen_flags: <defaults>
</compile_context>

<pallas_src>
import functools

import jax
import jax.numpy as jnp
from jax import lax
from jax.experimental import pallas as pl
from jax.experimental.pallas import tpu as pltpu
from jax.experimental.pallas import tpu_sc as plsc

N = 10000
NPAD = 10112
RPT = NPAD // 16
E = 320000
CHUNK = 128
KK = 160
NC, NS = 2, 16
EPAD = NS * KK * CHUNK
NBUF = 2
IG = 80
D_IN = 128
D_HID = 128
D_OUT = 32
DH_HID = D_HID // NC
DH_OUT = D_OUT // NC
TCB = 2528


def _sc_mesh():
  return plsc.VectorSubcoreMesh(
      core_axis_name="c", subcore_axis_name="s", num_cores=NC, num_subcores=NS)


_SC_PARAMS = pltpu.CompilerParams(use_tc_tiling_on_sc=False)


def _make_deg_kernel():
  @functools.partial(
      pl.kernel,
      out_type=jax.ShapeDtypeStruct((NC, NPAD, 16), jnp.float32),
      mesh=_sc_mesh(),
      compiler_params=_SC_PARAMS,
      scratch_types=[
          pltpu.VMEM((KK // 2, CHUNK), jnp.int32),
          pltpu.VMEM((CHUNK, 16), jnp.float32),
          pltpu.VMEM_SHARED((NPAD, 16), jnp.float32),
          [pltpu.SemaphoreType.DMA] * 2,
      ],
  )
  def deg_kernel(dst_hbm, ones_hbm, half_hbm, out_hbm, dst_v, ones_v, acc,
                 sem):
    c = lax.axis_index("c")
    s = lax.axis_index("s")
    wid = c * NS + s
    pltpu.sync_copy(dst_hbm.at[wid], dst_v)
    pltpu.sync_copy(ones_hbm, ones_v)
    pltpu.sync_copy(half_hbm, acc.at[pl.ds(s * RPT, RPT)])
    plsc.subcore_barrier()

    for b in range(2):
      pltpu.async_copy(ones_v, acc.at[dst_v.at[b]], sem[b], add=True)

    @pl.loop(2, KK // 2, step=2)
    def _(j):
      for b in range(2):
        pltpu.make_async_copy(ones_v, acc.at[dst_v.at[j - 2 + b]],
                              sem[b]).wait()
        pltpu.async_copy(ones_v, acc.at[dst_v.at[j + b]], sem[b], add=True)

    for b in range(2):
      pltpu.make_async_copy(ones_v, acc.at[dst_v.at[KK // 2 - 2 + b]],
                            sem[b]).wait()

    plsc.subcore_barrier()
    pltpu.sync_copy(acc.at[pl.ds(s * RPT, RPT)],
                    out_hbm.at[c, pl.ds(s * RPT, RPT)])

  return deg_kernel


def _make_agg_kernel(dh):
  @functools.partial(
      pl.kernel,
      out_type=jax.ShapeDtypeStruct((NC, NPAD, dh), jnp.float32),
      mesh=_sc_mesh(),
      compiler_params=_SC_PARAMS,
      scratch_types=[
          pltpu.VMEM((IG, CHUNK), jnp.int32),
          pltpu.VMEM((IG, CHUNK), jnp.int32),
          [pltpu.VMEM((CHUNK, dh), jnp.float32)] * NBUF,
          pltpu.VMEM_SHARED((NPAD, dh), jnp.float32),
          pltpu.VMEM_SHARED((NPAD, dh), jnp.float32),
          [pltpu.SemaphoreType.DMA] * NBUF,
      ],
  )
  def agg_kernel(g_hbm, src_hbm, dst_hbm, out_hbm,
                 src_v, dst_v, rows, gbuf, acc, gsem):
    c = lax.axis_index("c")
    s = lax.axis_index("s")
    rs = pl.ds(s * RPT, RPT)
    pltpu.sync_copy(g_hbm.at[c, rs], gbuf.at[rs])
    pltpu.sync_copy(g_hbm.at[c, rs], acc.at[rs])
    plsc.subcore_barrier()

    @pl.loop(0, KK // IG)
    def _(grp):
      pltpu.sync_copy(src_hbm.at[s, pl.ds(grp * IG, IG)], src_v)
      pltpu.sync_copy(dst_hbm.at[s, pl.ds(grp * IG, IG)], dst_v)
      for b in range(NBUF):
        pltpu.async_copy(gbuf.at[src_v.at[b]], rows[b], gsem[b])

      @pl.loop(NBUF, IG, step=NBUF)
      def _(j):
        for b in range(NBUF):
          pltpu.make_async_copy(gbuf.at[src_v.at[j - NBUF + b]], rows[b],
                                gsem[b]).wait()
          pltpu.sync_copy(rows[b], acc.at[dst_v.at[j - NBUF + b]], add=True)
          pltpu.async_copy(gbuf.at[src_v.at[j + b]], rows[b], gsem[b])

      for b in range(NBUF):
        pltpu.make_async_copy(gbuf.at[src_v.at[IG - NBUF + b]], rows[b],
                              gsem[b]).wait()
        pltpu.sync_copy(rows[b], acc.at[dst_v.at[IG - NBUF + b]], add=True)

    plsc.subcore_barrier()
    pltpu.sync_copy(acc.at[rs], out_hbm.at[c, rs])

  return agg_kernel


def _tcmm_body(x_ref, w_ref, h_ref):
  h_ref[...] = jnp.dot(x_ref[...], w_ref[...],
                       preferred_element_type=jnp.float32)


def _tc1_body(h_ref, dega_ref, g_ref):
  deg = dega_ref[0, :, 0] + dega_ref[1, :, 0]
  dinv = lax.rsqrt(deg)[:, None]
  res = dinv * h_ref[...]
  g_ref[0] = res[:, :DH_HID]
  g_ref[1] = res[:, DH_HID:]


def _tc2_body(acc_ref, dega_ref, b1_ref, w2_ref, g2_ref):
  deg = dega_ref[0, :, 0] + dega_ref[1, :, 0]
  dinv = lax.rsqrt(deg)[:, None]
  agg = jnp.concatenate([acc_ref[0], acc_ref[1]], axis=1)
  h = jnp.maximum(dinv * agg + b1_ref[...], 0.0)
  res = dinv * jnp.dot(h, w2_ref[...], preferred_element_type=jnp.float32)
  g2_ref[0] = res[:, :DH_OUT]
  g2_ref[1] = res[:, DH_OUT:]


def _tc3_body(acc_ref, dega_ref, b2_ref, out_ref):
  deg = dega_ref[0, :, 0] + dega_ref[1, :, 0]
  dinv = lax.rsqrt(deg)[:, None]
  agg = jnp.concatenate([acc_ref[0], acc_ref[1]], axis=1)
  out_ref[...] = dinv * agg + b2_ref[...]


def kernel(x, edge_index, W1, b1, W2, b2):
  pad = jnp.full((EPAD - E,), N, dtype=jnp.int32)
  src = jnp.concatenate([edge_index[0].astype(jnp.int32), pad]
                        ).reshape(NS, KK, CHUNK)
  dst = jnp.concatenate([edge_index[1].astype(jnp.int32), pad]
                        ).reshape(NS, KK, CHUNK)
  dst32 = dst.reshape(NC * NS, KK // 2, CHUNK)
  xp = jnp.pad(x, ((0, NPAD - N), (0, 0)))
  ones16 = jnp.ones((CHUNK, 16), jnp.float32)
  half16 = jnp.full((RPT, 16), 0.5, jnp.float32)

  dega = _make_deg_kernel()(dst32, ones16, half16)

  grid = NPAD // TCB
  h1 = pl.pallas_call(
      _tcmm_body,
      grid=(grid,),
      in_specs=[
          pl.BlockSpec((TCB, D_IN), lambda i: (i, 0)),
          pl.BlockSpec((D_IN, D_HID), lambda i: (0, 0)),
      ],
      out_specs=pl.BlockSpec((TCB, D_HID), lambda i: (i, 0)),
      out_shape=jax.ShapeDtypeStruct((NPAD, D_HID), jnp.float32),
  )(xp, W1)

  g1 = pl.pallas_call(
      _tc1_body,
      grid=(grid,),
      in_specs=[
          pl.BlockSpec((TCB, D_HID), lambda i: (i, 0)),
          pl.BlockSpec((NC, TCB, 16), lambda i: (0, i, 0)),
      ],
      out_specs=pl.BlockSpec((NC, TCB, DH_HID), lambda i: (0, i, 0)),
      out_shape=jax.ShapeDtypeStruct((NC, NPAD, DH_HID), jnp.float32),
  )(h1, dega)

  acc1 = _make_agg_kernel(DH_HID)(g1, src, dst)

  g2 = pl.pallas_call(
      _tc2_body,
      grid=(grid,),
      in_specs=[
          pl.BlockSpec((NC, TCB, DH_HID), lambda i: (0, i, 0)),
          pl.BlockSpec((NC, TCB, 16), lambda i: (0, i, 0)),
          pl.BlockSpec((1, D_HID), lambda i: (0, 0)),
          pl.BlockSpec((D_HID, D_OUT), lambda i: (0, 0)),
      ],
      out_specs=pl.BlockSpec((NC, TCB, DH_OUT), lambda i: (0, i, 0)),
      out_shape=jax.ShapeDtypeStruct((NC, NPAD, DH_OUT), jnp.float32),
  )(acc1, dega, b1.reshape(1, D_HID), W2)

  acc2 = _make_agg_kernel(DH_OUT)(g2, src, dst)

  out = pl.pallas_call(
      _tc3_body,
      grid=(grid,),
      in_specs=[
          pl.BlockSpec((NC, TCB, DH_OUT), lambda i: (0, i, 0)),
          pl.BlockSpec((NC, TCB, 16), lambda i: (0, i, 0)),
          pl.BlockSpec((1, D_OUT), lambda i: (0, 0)),
      ],
      out_specs=pl.BlockSpec((TCB, D_OUT), lambda i: (i, 0)),
      out_shape=jax.ShapeDtypeStruct((NPAD, D_OUT), jnp.float32),
  )(acc2, dega, b2.reshape(1, D_OUT))

  return out[:N]

# --- scband reference (transcript-rebuilt; emitter-appended) ---
"""Pipeline reference for scband-gcn-63496796504384 (READ-ONLY COPY).

The authoritative reference and input builder live on the scoring server;
editing this copy changes nothing except your own understanding.
"""

import jax, jax.numpy as jnp
import numpy as np

N = 10000
E = 320000
D_IN = 128
D_HID = 128
N_CLASSES = 32


def setup_inputs(seed: int = 0) -> dict:
    key = jax.random.key(seed)
    k1, k2, k3, k4, k5, k6 = jax.random.split(key, 6)
    x = jax.random.normal(k1, (N, D_IN), dtype=jnp.float32)
    edge_index = jax.random.randint(k2, (2, E), 0, N, dtype=jnp.int32)
    W1 = jax.random.normal(k3, (D_IN, D_HID), dtype=jnp.float32) * (1.0 / np.sqrt(D_IN))
    b1 = jnp.zeros((D_HID,), dtype=jnp.float32)
    W2 = jax.random.normal(k4, (D_HID, N_CLASSES), dtype=jnp.float32) * (1.0 / np.sqrt(D_HID))
    b2 = jnp.zeros((N_CLASSES,), dtype=jnp.float32)
    return {"x": x, "edge_index": edge_index, "W1": W1, "b1": b1, "W2": W2, "b2": b2}


def _gcn_conv(x, edge_index, W, b):
    # GCNConv: x' = D^{-1/2} (A + I) D^{-1/2} (x W) + b
    src = edge_index[0]
    dst = edge_index[1]
    loop = jnp.arange(N, dtype=src.dtype)
    src = jnp.concatenate([src, loop], axis=0)
    dst = jnp.concatenate([dst, loop], axis=0)
    deg = jax.ops.segment_sum(jnp.ones_like(dst, dtype=x.dtype), dst, num_segments=N)
    dinv = jnp.where(deg > 0, jax.lax.rsqrt(jnp.maximum(deg, 1e-12)), 0.0)
    norm = dinv[src] * dinv[dst]
    h = x @ W
    msg = h[src] * norm[:, None]
    out = jax.ops.segment_sum(msg, dst, num_segments=N)
    return out + b


def reference(x, edge_index, W1, b1, W2, b2):
    h = _gcn_conv(x, edge_index, W1, b1)
    h = jax.nn.relu(h)
    # F.dropout(p=0.5) is identity in eval mode
    out = _gcn_conv(h, edge_index, W2, b2)
    return out

if __name__ == "__main__":
    import jax
    _d = setup_inputs()
    print(jax.jit(kernel)(*tuple(_d.values())))

</pallas_src>

<mosaic_0001>
#map = affine_map<(d0, d1) -> (0, 0, 0)>
module attributes {stable_mosaic.version = 14 : i64} {
  func.func @agg_kernel(%arg0: i32, %arg1: i32, %arg2: memref<2x10112x16xf32, #tpu.memory_space<hbm>>, %arg3: memref<16x160x128xi32, #tpu.memory_space<hbm>>, %arg4: memref<16x160x128xi32, #tpu.memory_space<hbm>>, %arg5: memref<2x10112x16xf32, #tpu.memory_space<hbm>>, %arg6: memref<80x128xi32, #tpu.memory_space<vmem>>, %arg7: memref<80x128xi32, #tpu.memory_space<vmem>>, %arg8: memref<128x16xf32, #tpu.memory_space<vmem>>, %arg9: memref<128x16xf32, #tpu.memory_space<vmem>>, %arg10: memref<10112x16xf32, #tpu.memory_space<vmem_shared>>, %arg11: memref<10112x16xf32, #tpu.memory_space<vmem_shared>>, %arg12: memref<!tpu.dma_semaphore, #tpu.memory_space<semaphore_mem>>, %arg13: memref<!tpu.dma_semaphore, #tpu.memory_space<semaphore_mem>>) attributes {dimension_semantics = [#tpu.dimension_semantics<core_parallel>, #tpu.dimension_semantics<subcore_parallel>], iteration_bounds = array<i64: 2, 16>, scalar_prefetch = 0 : i64, scratch_operands = 8 : i64, tpu.core_type = #tpu.core_type<sc_vector_subcore>, window_params = [{transform_indices = #map}, {transform_indices = #map}, {transform_indices = #map}, {transform_indices = #map}]} {
    %mul3A = arith.constant 632 : i32
    %mul3A_0 = arith.muli %arg1, %mul3A : i32
    "tpu.region"() ({
      %run_scoped3A = tpu.sem_alloc : memref<!tpu.dma_semaphore, #tpu.memory_space<semaphore_mem>>
      %dma_start3A = arith.constant 0 : i32
      %dma_start3A_6 = tpu.memref_slice %arg10[%mul3A_0, %dma_start3A] : memref<10112x16xf32, #tpu.memory_space<vmem_shared>> -> memref<632x16xf32, #tpu.memory_space<vmem_shared>>
      %dma_start3A_7 = arith.constant 0 : i32
      %dma_start3A_8 = tpu.memref_slice %arg2[%arg0, %mul3A_0, %dma_start3A_7] : memref<2x10112x16xf32, #tpu.memory_space<hbm>> -> memref<1x632x16xf32, #tpu.memory_space<hbm>>
      %dma_start3A_9 = tpu.memref_squeeze %dma_start3A_8 : memref<1x632x16xf32, #tpu.memory_space<hbm>> -> memref<632x16xf32, #tpu.memory_space<hbm>>
      tpu.enqueue_dma source(%dma_start3A_9 : memref<632x16xf32, #tpu.memory_space<hbm>>) target(%dma_start3A_6 : memref<632x16xf32, #tpu.memory_space<vmem_shared>>) target_semaphore(%run_scoped3A : memref<!tpu.dma_semaphore, #tpu.memory_space<semaphore_mem>>)
      %dma_wait3A = arith.constant 0 : i32
      %dma_wait3A_10 = tpu.memref_slice %arg10[%mul3A_0, %dma_wait3A] : memref<10112x16xf32, #tpu.memory_space<vmem_shared>> -> memref<632x16xf32, #tpu.memory_space<vmem_shared>>
      %dma_wait3A_11 = arith.constant 0 : i32
      %dma_wait3A_12 = tpu.memref_slice %arg2[%arg0, %mul3A_0, %dma_wait3A_11] : memref<2x10112x16xf32, #tpu.memory_space<hbm>> -> memref<1x632x16xf32, #tpu.memory_space<hbm>>
      %dma_wait3A_13 = tpu.memref_squeeze %dma_wait3A_12 : memref<1x632x16xf32, #tpu.memory_space<hbm>> -> memref<632x16xf32, #tpu.memory_space<hbm>>
      tpu.wait_dma2 semaphore(%run_scoped3A : memref<!tpu.dma_semaphore, #tpu.memory_space<semaphore_mem>>) src(%dma_wait3A_13 : memref<632x16xf32, #tpu.memory_space<hbm>>) dst(%dma_wait3A_10 : memref<632x16xf32, #tpu.memory_space<vmem_shared>>)
      tpu.yield
    }) : () -> ()
    "tpu.region"() ({
      %run_scoped3A = tpu.sem_alloc : memref<!tpu.dma_semaphore, #tpu.memory_space<semaphore_mem>>
      %dma_start3A = arith.constant 0 : i32
      %dma_start3A_6 = tpu.memref_slice %arg11[%mul3A_0, %dma_start3A] : memref<10112x16xf32, #tpu.memory_space<vmem_shared>> -> memref<632x16xf32, #tpu.memory_space<vmem_shared>>
      %dma_start3A_7 = arith.constant 0 : i32
      %dma_start3A_8 = tpu.memref_slice %arg2[%arg0, %mul3A_0, %dma_start3A_7] : memref<2x10112x16xf32, #tpu.memory_space<hbm>> -> memref<1x632x16xf32, #tpu.memory_space<hbm>>
      %dma_start3A_9 = tpu.memref_squeeze %dma_start3A_8 : memref<1x632x16xf32, #tpu.memory_space<hbm>> -> memref<632x16xf32, #tpu.memory_space<hbm>>
      tpu.enqueue_dma source(%dma_start3A_9 : memref<632x16xf32, #tpu.memory_space<hbm>>) target(%dma_start3A_6 : memref<632x16xf32, #tpu.memory_space<vmem_shared>>) target_semaphore(%run_scoped3A : memref<!tpu.dma_semaphore, #tpu.memory_space<semaphore_mem>>)
      %dma_wait3A = arith.constant 0 : i32
      %dma_wait3A_10 = tpu.memref_slice %arg11[%mul3A_0, %dma_wait3A] : memref<10112x16xf32, #tpu.memory_space<vmem_shared>> -> memref<632x16xf32, #tpu.memory_space<vmem_shared>>
      %dma_wait3A_11 = arith.constant 0 : i32
      %dma_wait3A_12 = tpu.memref_slice %arg2[%arg0, %mul3A_0, %dma_wait3A_11] : memref<2x10112x16xf32, #tpu.memory_space<hbm>> -> memref<1x632x16xf32, #tpu.memory_space<hbm>>
      %dma_wait3A_13 = tpu.memref_squeeze %dma_wait3A_12 : memref<1x632x16xf32, #tpu.memory_space<hbm>> -> memref<632x16xf32, #tpu.memory_space<hbm>>
      tpu.wait_dma2 semaphore(%run_scoped3A : memref<!tpu.dma_semaphore, #tpu.memory_space<semaphore_mem>>) src(%dma_wait3A_13 : memref<632x16xf32, #tpu.memory_space<hbm>>) dst(%dma_wait3A_10 : memref<632x16xf32, #tpu.memory_space<vmem_shared>>)
      tpu.yield
    }) : () -> ()
    %barrier3A = arith.constant 0 : index
    tpu.barrier barrier_id(%barrier3A)
    %scan3A = arith.constant 0 : i32
    %scan3A_1 = arith.constant 2 : i32
    %scan3A_2 = arith.addi %scan3A, %scan3A_1 : i32
    %scan3A_3 = arith.constant 1 : i32
    scf.for %scan3A_6 = %scan3A to %scan3A_2 step %scan3A_3  : i32 {
      %mul3A_7 = arith.constant 1 : i32
      %mul3A_8 = arith.muli %scan3A_6, %mul3A_7 : i32
      %add3A = arith.constant 0 : i32
      %add3A_9 = arith.addi %add3A, %mul3A_8 : i32
      %mul3A_10 = arith.constant 80 : i32
      %mul3A_11 = arith.muli %add3A_9, %mul3A_10 : i32
      "tpu.region"() ({
        %run_scoped3A_46 = tpu.sem_alloc : memref<!tpu.dma_semaphore, #tpu.memory_space<semaphore_mem>>
        %dma_start3A_47 = arith.constant 0 : i32
        %dma_start3A_48 = tpu.memref_slice %arg3[%arg1, %mul3A_11, %dma_start3A_47] : memref<16x160x128xi32, #tpu.memory_space<hbm>> -> memref<1x80x128xi32, #tpu.memory_space<hbm>>
        %dma_start3A_49 = tpu.memref_squeeze %dma_start3A_48 : memref<1x80x128xi32, #tpu.memory_space<hbm>> -> memref<80x128xi32, #tpu.memory_space<hbm>>
        %dma_start3A_50 = arith.constant 0 : i32
        %dma_start3A_51 = tpu.memref_slice %arg3[%arg1, %mul3A_11, %dma_start3A_50] : memref<16x160x128xi32, #tpu.memory_space<hbm>> -> memref<1x80x128xi32, #tpu.memory_space<hbm>>
        %dma_start3A_52 = tpu.memref_squeeze %dma_start3A_51 : memref<1x80x128xi32, #tpu.memory_space<hbm>> -> memref<80x128xi32, #tpu.memory_space<hbm>>
        tpu.enqueue_dma source(%dma_start3A_52 : memref<80x128xi32, #tpu.memory_space<hbm>>) target(%arg6 : memref<80x128xi32, #tpu.memory_space<vmem>>) target_semaphore(%run_scoped3A_46 : memref<!tpu.dma_semaphore, #tpu.memory_space<semaphore_mem>>)
        %dma_wait3A_53 = arith.constant 0 : i32
        %dma_wait3A_54 = tpu.memref_slice %arg3[%arg1, %mul3A_11, %dma_wait3A_53] : memref<16x160x128xi32, #tpu.memory_space<hbm>> -> memref<1x80x128xi32, #tpu.memory_space<hbm>>
        %dma_wait3A_55 = tpu.memref_squeeze %dma_wait3A_54 : memref<1x80x128xi32, #tpu.memory_space<hbm>> -> memref<80x128xi32, #tpu.memory_space<hbm>>
        %dma_wait3A_56 = arith.constant 0 : i32
        %dma_wait3A_57 = tpu.memref_slice %arg3[%arg1, %mul3A_11, %dma_wait3A_56] : memref<16x160x128xi32, #tpu.memory_space<hbm>> -> memref<1x80x128xi32, #tpu.memory_space<hbm>>
        %dma_wait3A_58 = tpu.memref_squeeze %dma_wait3A_57 : memref<1x80x128xi32, #tpu.memory_space<hbm>> -> memref<80x128xi32, #tpu.memory_space<hbm>>
        tpu.wait_dma2 semaphore(%run_scoped3A_46 : memref<!tpu.dma_semaphore, #tpu.memory_space<semaphore_mem>>) src(%dma_wait3A_58 : memref<80x128xi32, #tpu.memory_space<hbm>>) dst(%arg6 : memref<80x128xi32, #tpu.memory_space<vmem>>)
        tpu.yield
      }) : () -> ()
      %mul3A_12 = arith.constant 80 : i32
      %mul3A_13 = arith.muli %add3A_9, %mul3A_12 : i32
      "tpu.region"() ({
        %run_scoped3A_46 = tpu.sem_alloc : memref<!tpu.dma_semaphore, #tpu.memory_space<semaphore_mem>>
        %dma_start3A_47 = arith.constant 0 : i32
        %dma_start3A_48 = tpu.memref_slice %arg4[%arg1, %mul3A_13, %dma_start3A_47] : memref<16x160x128xi32, #tpu.memory_space<hbm>> -> memref<1x80x128xi32, #tpu.memory_space<hbm>>
        %dma_start3A_49 = tpu.memref_squeeze %dma_start3A_48 : memref<1x80x128xi32, #tpu.memory_space<hbm>> -> memref<80x128xi32, #tpu.memory_space<hbm>>
        %dma_start3A_50 = arith.constant 0 : i32
        %dma_start3A_51 = tpu.memref_slice %arg4[%arg1, %mul3A_13, %dma_start3A_50] : memref<16x160x128xi32, #tpu.memory_space<hbm>> -> memref<1x80x128xi32, #tpu.memory_space<hbm>>
        %dma_start3A_52 = tpu.memref_squeeze %dma_start3A_51 : memref<1x80x128xi32, #tpu.memory_space<hbm>> -> memref<80x128xi32, #tpu.memory_space<hbm>>
        tpu.enqueue_dma source(%dma_start3A_52 : memref<80x128xi32, #tpu.memory_space<hbm>>) target(%arg7 : memref<80x128xi32, #tpu.memory_space<vmem>>) target_semaphore(%run_scoped3A_46 : memref<!tpu.dma_semaphore, #tpu.memory_space<semaphore_mem>>)
        %dma_wait3A_53 = arith.constant 0 : i32
        %dma_wait3A_54 = tpu.memref_slice %arg4[%arg1, %mul3A_13, %dma_wait3A_53] : memref<16x160x128xi32, #tpu.memory_space<hbm>> -> memref<1x80x128xi32, #tpu.memory_space<hbm>>
        %dma_wait3A_55 = tpu.memref_squeeze %dma_wait3A_54 : memref<1x80x128xi32, #tpu.memory_space<hbm>> -> memref<80x128xi32, #tpu.memory_space<hbm>>
        %dma_wait3A_56 = arith.constant 0 : i32
        %dma_wait3A_57 = tpu.memref_slice %arg4[%arg1, %mul3A_13, %dma_wait3A_56] : memref<16x160x128xi32, #tpu.memory_space<hbm>> -> memref<1x80x128xi32, #tpu.memory_space<hbm>>
        %dma_wait3A_58 = tpu.memref_squeeze %dma_wait3A_57 : memref<1x80x128xi32, #tpu.memory_space<hbm>> -> memref<80x128xi32, #tpu.memory_space<hbm>>
        tpu.wait_dma2 semaphore(%run_scoped3A_46 : memref<!tpu.dma_semaphore, #tpu.memory_space<semaphore_mem>>) src(%dma_wait3A_58 : memref<80x128xi32, #tpu.memory_space<hbm>>) dst(%arg7 : memref<80x128xi32, #tpu.memory_space<vmem>>)
        tpu.yield
      }) : () -> ()
      %dma_start3A = arith.constant 0 : i32
      %dma_start3A_14 = arith.constant 0 : i32
      %dma_start3A_15 = tpu.memref_slice %arg6[%dma_start3A, %dma_start3A_14] : memref<80x128xi32, #tpu.memory_space<vmem>> -> memref<1x128xi32, #tpu.memory_space<vmem>>
      %dma_start3A_16 = tpu.memref_squeeze %dma_start3A_15 : memref<1x128xi32, #tpu.memory_space<vmem>> -> memref<128xi32, #tpu.memory_space<vmem>>
      %dma_start3A_17 = arith.constant 0 : i32
      %dma_start3A_18 = arith.constant 0 : i32
      %dma_start3A_19 = tpu.memref_slice %arg10[%dma_start3A_17, %dma_start3A_18] : memref<10112x16xf32, #tpu.memory_space<vmem_shared>> -> memref<10112x16xf32, #tpu.memory_space<vmem_shared>>
      tpu.enqueue_indirect_dma source(%dma_start3A_19 : memref<10112x16xf32, #tpu.memory_space<vmem_shared>>) target(%arg8 : memref<128x16xf32, #tpu.memory_space<vmem>>) offsets(%dma_start3A_16 : memref<128xi32, #tpu.memory_space<vmem>>) semaphore(%arg12 : memref<!tpu.dma_semaphore, #tpu.memory_space<semaphore_mem>>)
      %dma_start3A_20 = arith.constant 1 : i32
      %dma_start3A_21 = arith.constant 0 : i32
      %dma_start3A_22 = tpu.memref_slice %arg6[%dma_start3A_20, %dma_start3A_21] : memref<80x128xi32, #tpu.memory_space<vmem>> -> memref<1x128xi32, #tpu.memory_space<vmem>>
      %dma_start3A_23 = tpu.memref_squeeze %dma_start3A_22 : memref<1x128xi32, #tpu.memory_space<vmem>> -> memref<128xi32, #tpu.memory_space<vmem>>
      %dma_start3A_24 = arith.constant 0 : i32
      %dma_start3A_25 = arith.constant 0 : i32
      %dma_start3A_26 = tpu.memref_slice %arg10[%dma_start3A_24, %dma_start3A_25] : memref<10112x16xf32, #tpu.memory_space<vmem_shared>> -> memref<10112x16xf32, #tpu.memory_space<vmem_shared>>
      tpu.enqueue_indirect_dma source(%dma_start3A_26 : memref<10112x16xf32, #tpu.memory_space<vmem_shared>>) target(%arg9 : memref<128x16xf32, #tpu.memory_space<vmem>>) offsets(%dma_start3A_23 : memref<128xi32, #tpu.memory_space<vmem>>) semaphore(%arg13 : memref<!tpu.dma_semaphore, #tpu.memory_space<semaphore_mem>>)
      %scan3A_27 = arith.constant 0 : i32
      %scan3A_28 = arith.constant 39 : i32
      %scan3A_29 = arith.addi %scan3A_27, %scan3A_28 : i32
      %scan3A_30 = arith.constant 1 : i32
      scf.for %scan3A_46 = %scan3A_27 to %scan3A_29 step %scan3A_30  : i32 {
        %mul3A_47 = arith.constant 2 : i32
        %mul3A_48 = arith.muli %scan3A_46, %mul3A_47 : i32
        %add3A_49 = arith.constant 2 : i32
        %add3A_50 = arith.addi %add3A_49, %mul3A_48 : i32
        %sub3A = arith.constant 2 : i32
        %sub3A_51 = arith.subi %add3A_50, %sub3A : i32
        %add3A_52 = arith.constant 0 : i32
        %add3A_53 = arith.addi %sub3A_51, %add3A_52 : i32
        %dma_wait3A_54 = arith.constant 0 : i32
        %dma_wait3A_55 = tpu.memref_slice %arg6[%add3A_53, %dma_wait3A_54] : memref<80x128xi32, #tpu.memory_space<vmem>> -> memref<1x128xi32, #tpu.memory_space<vmem>>
        %dma_wait3A_56 = tpu.memref_squeeze %dma_wait3A_55 : memref<1x128xi32, #tpu.memory_space<vmem>> -> memref<128xi32, #tpu.memory_space<vmem>>
        %dma_wait3A_57 = arith.constant 0 : i32
        %dma_wait3A_58 = arith.constant 0 : i32
        %dma_wait3A_59 = tpu.memref_slice %arg10[%dma_wait3A_57, %dma_wait3A_58] : memref<10112x16xf32, #tpu.memory_space<vmem_shared>> -> memref<10112x16xf32, #tpu.memory_space<vmem_shared>>
        tpu.wait_indirect_dma semaphore(%arg12 : memref<!tpu.dma_semaphore, #tpu.memory_space<semaphore_mem>>) src(%dma_wait3A_59 : memref<10112x16xf32, #tpu.memory_space<vmem_shared>>) dst(%arg8 : memref<128x16xf32, #tpu.memory_space<vmem>>)
        %sub3A_60 = arith.constant 2 : i32
        %sub3A_61 = arith.subi %add3A_50, %sub3A_60 : i32
        %add3A_62 = arith.constant 0 : i32
        %add3A_63 = arith.addi %sub3A_61, %add3A_62 : i32
        "tpu.region"() ({
          %run_scoped3A_94 = tpu.sem_alloc : memref<!tpu.dma_semaphore, #tpu.memory_space<semaphore_mem>>
          %dma_start3A_95 = arith.constant 0 : i32
          %dma_start3A_96 = tpu.memref_slice %arg7[%add3A_63, %dma_start3A_95] : memref<80x128xi32, #tpu.memory_space<vmem>> -> memref<1x128xi32, #tpu.memory_space<vmem>>
          %dma_start3A_97 = tpu.memref_squeeze %dma_start3A_96 : memref<1x128xi32, #tpu.memory_space<vmem>> -> memref<128xi32, #tpu.memory_space<vmem>>
          %dma_start3A_98 = arith.constant 0 : i32
          %dma_start3A_99 = arith.constant 0 : i32
          %dma_start3A_100 = tpu.memref_slice %arg11[%dma_start3A_98, %dma_start3A_99] : memref<10112x16xf32, #tpu.memory_space<vmem_shared>> -> memref<10112x16xf32, #tpu.memory_space<vmem_shared>>
          tpu.enqueue_indirect_dma source(%arg8 : memref<128x16xf32, #tpu.memory_space<vmem>>) target(%dma_start3A_100 : memref<10112x16xf32, #tpu.memory_space<vmem_shared>>) offsets(%dma_start3A_97 : memref<128xi32, #tpu.memory_space<vmem>>) semaphore(%run_scoped3A_94 : memref<!tpu.dma_semaphore, #tpu.memory_space<semaphore_mem>>) {add = true}
          %dma_wait3A_101 = arith.constant 0 : i32
          %dma_wait3A_102 = tpu.memref_slice %arg7[%add3A_63, %dma_wait3A_101] : memref<80x128xi32, #tpu.memory_space<vmem>> -> memref<1x128xi32, #tpu.memory_space<vmem>>
          %dma_wait3A_103 = tpu.memref_squeeze %dma_wait3A_102 : memref<1x128xi32, #tpu.memory_space<vmem>> -> memref<128xi32, #tpu.memory_space<vmem>>
          %dma_wait3A_104 = arith.constant 0 : i32
          %dma_wait3A_105 = arith.constant 0 : i32
          %dma_wait3A_106 = tpu.memref_slice %arg11[%dma_wait3A_104, %dma_wait3A_105] : memref<10112x16xf32, #tpu.memory_space<vmem_shared>> -> memref<10112x16xf32, #tpu.memory_space<vmem_shared>>
          tpu.wait_indirect_dma semaphore(%run_scoped3A_94 : memref<!tpu.dma_semaphore, #tpu.memory_space<semaphore_mem>>) src(%arg8 : memref<128x16xf32, #tpu.memory_space<vmem>>) dst(%dma_wait3A_106 : memref<10112x16xf32, #tpu.memory_space<vmem_shared>>)
          tpu.yield
        }) : () -> ()
        %add3A_64 = arith.constant 0 : i32
        %add3A_65 = arith.addi %add3A_50, %add3A_64 : i32
        %dma_start3A_66 = arith.constant 0 : i32
        %dma_start3A_67 = tpu.memref_slice %arg6[%add3A_65, %dma_start3A_66] : memref<80x128xi32, #tpu.memory_space<vmem>> -> memref<1x128xi32, #tpu.memory_space<vmem>>
        %dma_start3A_68 = tpu.memref_squeeze %dma_start3A_67 : memref<1x128xi32, #tpu.memory_space<vmem>> -> memref<128xi32, #tpu.memory_space<vmem>>
        %dma_start3A_69 = arith.constant 0 : i32
        %dma_start3A_70 = arith.constant 0 : i32
        %dma_start3A_71 = tpu.memref_slice %arg10[%dma_start3A_69, %dma_start3A_70] : memref<10112x16xf32, #tpu.memory_space<vmem_shared>> -> memref<10112x16xf32, #tpu.memory_space<vmem_shared>>
        tpu.enqueue_indirect_dma source(%dma_start3A_71 : memref<10112x16xf32, #tpu.memory_space<vmem_shared>>) target(%arg8 : memref<128x16xf32, #tpu.memory_space<vmem>>) offsets(%dma_start3A_68 : memref<128xi32, #tpu.memory_space<vmem>>) semaphore(%arg12 : memref<!tpu.dma_semaphore, #tpu.memory_space<semaphore_mem>>)
        %sub3A_72 = arith.constant 2 : i32
        %sub3A_73 = arith.subi %add3A_50, %sub3A_72 : i32
        %add3A_74 = arith.constant 1 : i32
        %add3A_75 = arith.addi %sub3A_73, %add3A_74 : i32
        %dma_wait3A_76 = arith.constant 0 : i32
        %dma_wait3A_77 = tpu.memref_slice %arg6[%add3A_75, %dma_wait3A_76] : memref<80x128xi32, #tpu.memory_space<vmem>> -> memref<1x128xi32, #tpu.memory_space<vmem>>
        %dma_wait3A_78 = tpu.memref_squeeze %dma_wait3A_77 : memref<1x128xi32, #tpu.memory_space<vmem>> -> memref<128xi32, #tpu.memory_space<vmem>>
        %dma_wait3A_79 = arith.constant 0 : i32
        %dma_wait3A_80 = arith.constant 0 : i32
        %dma_wait3A_81 = tpu.memref_slice %arg10[%dma_wait3A_79, %dma_wait3A_80] : memref<10112x16xf32, #tpu.memory_space<vmem_shared>> -> memref<10112x16xf32, #tpu.memory_space<vmem_shared>>
        tpu.wait_indirect_dma semaphore(%arg13 : memref<!tpu.dma_semaphore, #tpu.memory_space<semaphore_mem>>) src(%dma_wait3A_81 : memref<10112x16xf32, #tpu.memory_space<vmem_shared>>) dst(%arg9 : memref<128x16xf32, #tpu.memory_space<vmem>>)
        %sub3A_82 = arith.constant 2 : i32
        %sub3A_83 = arith.subi %add3A_50, %sub3A_82 : i32
        %add3A_84 = arith.constant 1 : i32
        %add3A_85 = arith.addi %sub3A_83, %add3A_84 : i32
        "tpu.region"() ({
          %run_scoped3A_94 = tpu.sem_alloc : memref<!tpu.dma_semaphore, #tpu.memory_space<semaphore_mem>>
          %dma_start3A_95 = arith.constant 0 : i32
          %dma_start3A_96 = tpu.memref_slice %arg7[%add3A_85, %dma_start3A_95] : memref<80x128xi32, #tpu.memory_space<vmem>> -> memref<1x128xi32, #tpu.memory_space<vmem>>
          %dma_start3A_97 = tpu.memref_squeeze %dma_start3A_96 : memref<1x128xi32, #tpu.memory_space<vmem>> -> memref<128xi32, #tpu.memory_space<vmem>>
          %dma_start3A_98 = arith.constant 0 : i32
          %dma_start3A_99 = arith.constant 0 : i32
          %dma_start3A_100 = tpu.memref_slice %arg11[%dma_start3A_98, %dma_start3A_99] : memref<10112x16xf32, #tpu.memory_space<vmem_shared>> -> memref<10112x16xf32, #tpu.memory_space<vmem_shared>>
          tpu.enqueue_indirect_dma source(%arg9 : memref<128x16xf32, #tpu.memory_space<vmem>>) target(%dma_start3A_100 : memref<10112x16xf32, #tpu.memory_space<vmem_shared>>) offsets(%dma_start3A_97 : memref<128xi32, #tpu.memory_space<vmem>>) semaphore(%run_scoped3A_94 : memref<!tpu.dma_semaphore, #tpu.memory_space<semaphore_mem>>) {add = true}
          %dma_wait3A_101 = arith.constant 0 : i32
          %dma_wait3A_102 = tpu.memref_slice %arg7[%add3A_85, %dma_wait3A_101] : memref<80x128xi32, #tpu.memory_space<vmem>> -> memref<1x128xi32, #tpu.memory_space<vmem>>
          %dma_wait3A_103 = tpu.memref_squeeze %dma_wait3A_102 : memref<1x128xi32, #tpu.memory_space<vmem>> -> memref<128xi32, #tpu.memory_space<vmem>>
          %dma_wait3A_104 = arith.constant 0 : i32
          %dma_wait3A_105 = arith.constant 0 : i32
          %dma_wait3A_106 = tpu.memref_slice %arg11[%dma_wait3A_104, %dma_wait3A_105] : memref<10112x16xf32, #tpu.memory_space<vmem_shared>> -> memref<10112x16xf32, #tpu.memory_space<vmem_shared>>
          tpu.wait_indirect_dma semaphore(%run_scoped3A_94 : memref<!tpu.dma_semaphore, #tpu.memory_space<semaphore_mem>>) src(%arg9 : memref<128x16xf32, #tpu.memory_space<vmem>>) dst(%dma_wait3A_106 : memref<10112x16xf32, #tpu.memory_space<vmem_shared>>)
          tpu.yield
        }) : () -> ()
        %add3A_86 = arith.constant 1 : i32
        %add3A_87 = arith.addi %add3A_50, %add3A_86 : i32
        %dma_start3A_88 = arith.constant 0 : i32
        %dma_start3A_89 = tpu.memref_slice %arg6[%add3A_87, %dma_start3A_88] : memref<80x128xi32, #tpu.memory_space<vmem>> -> memref<1x128xi32, #tpu.memory_space<vmem>>
        %dma_start3A_90 = tpu.memref_squeeze %dma_start3A_89 : memref<1x128xi32, #tpu.memory_space<vmem>> -> memref<128xi32, #tpu.memory_space<vmem>>
        %dma_start3A_91 = arith.constant 0 : i32
        %dma_start3A_92 = arith.constant 0 : i32
        %dma_start3A_93 = tpu.memref_slice %arg10[%dma_start3A_91, %dma_start3A_92] : memref<10112x16xf32, #tpu.memory_space<vmem_shared>> -> memref<10112x16xf32, #tpu.memory_space<vmem_shared>>
        tpu.enqueue_indirect_dma source(%dma_start3A_93 : memref<10112x16xf32, #tpu.memory_space<vmem_shared>>) target(%arg9 : memref<128x16xf32, #tpu.memory_space<vmem>>) offsets(%dma_start3A_90 : memref<128xi32, #tpu.memory_space<vmem>>) semaphore(%arg13 : memref<!tpu.dma_semaphore, #tpu.memory_space<semaphore_mem>>)
      }
      %scan3A_31 = arith.constant 39 : i32
      %dma_wait3A = arith.constant 78 : i32
      %dma_wait3A_32 = arith.constant 0 : i32
      %dma_wait3A_33 = tpu.memref_slice %arg6[%dma_wait3A, %dma_wait3A_32] : memref<80x128xi32, #tpu.memory_space<vmem>> -> memref<1x128xi32, #tpu.memory_space<vmem>>
      %dma_wait3A_34 = tpu.memref_squeeze %dma_wait3A_33 : memref<1x128xi32, #tpu.memory_space<vmem>> -> memref<128xi32, #tpu.memory_space<vmem>>
      %dma_wait3A_35 = arith.constant 0 : i32
      %dma_wait3A_36 = arith.constant 0 : i32
      %dma_wait3A_37 = tpu.memref_slice %arg10[%dma_wait3A_35, %dma_wait3A_36] : memref<10112x16xf32, #tpu.memory_space<vmem_shared>> -> memref<10112x16xf32, #tpu.memory_space<vmem_shared>>
      tpu.wait_indirect_dma semaphore(%arg12 : memref<!tpu.dma_semaphore, #tpu.memory_space<semaphore_mem>>) src(%dma_wait3A_37 : memref<10112x16xf32, #tpu.memory_space<vmem_shared>>) dst(%arg8 : memref<128x16xf32, #tpu.memory_space<vmem>>)
      %run_scoped3A = arith.constant 78 : i32
      "tpu.region"() ({
        %run_scoped3A_46 = tpu.sem_alloc : memref<!tpu.dma_semaphore, #tpu.memory_space<semaphore_mem>>
        %dma_start3A_47 = arith.constant 0 : i32
        %dma_start3A_48 = tpu.memref_slice %arg7[%run_scoped3A, %dma_start3A_47] : memref<80x128xi32, #tpu.memory_space<vmem>> -> memref<1x128xi32, #tpu.memory_space<vmem>>
        %dma_start3A_49 = tpu.memref_squeeze %dma_start3A_48 : memref<1x128xi32, #tpu.memory_space<vmem>> -> memref<128xi32, #tpu.memory_space<vmem>>
        %dma_start3A_50 = arith.constant 0 : i32
        %dma_start3A_51 = arith.constant 0 : i32
        %dma_start3A_52 = tpu.memref_slice %arg11[%dma_start3A_50, %dma_start3A_51] : memref<10112x16xf32, #tpu.memory_space<vmem_shared>> -> memref<10112x16xf32, #tpu.memory_space<vmem_shared>>
        tpu.enqueue_indirect_dma source(%arg8 : memref<128x16xf32, #tpu.memory_space<vmem>>) target(%dma_start3A_52 : memref<10112x16xf32, #tpu.memory_space<vmem_shared>>) offsets(%dma_start3A_49 : memref<128xi32, #tpu.memory_space<vmem>>) semaphore(%run_scoped3A_46 : memref<!tpu.dma_semaphore, #tpu.memory_space<semaphore_mem>>) {add = true}
        %dma_wait3A_53 = arith.constant 0 : i32
        %dma_wait3A_54 = tpu.memref_slice %arg7[%run_scoped3A, %dma_wait3A_53] : memref<80x128xi32, #tpu.memory_space<vmem>> -> memref<1x128xi32, #tpu.memory_space<vmem>>
        %dma_wait3A_55 = tpu.memref_squeeze %dma_wait3A_54 : memref<1x128xi32, #tpu.memory_space<vmem>> -> memref<128xi32, #tpu.memory_space<vmem>>
        %dma_wait3A_56 = arith.constant 0 : i32
        %dma_wait3A_57 = arith.constant 0 : i32
        %dma_wait3A_58 = tpu.memref_slice %arg11[%dma_wait3A_56, %dma_wait3A_57] : memref<10112x16xf32, #tpu.memory_space<vmem_shared>> -> memref<10112x16xf32, #tpu.memory_space<vmem_shared>>
        tpu.wait_indirect_dma semaphore(%run_scoped3A_46 : memref<!tpu.dma_semaphore, #tpu.memory_space<semaphore_mem>>) src(%arg8 : memref<128x16xf32, #tpu.memory_space<vmem>>) dst(%dma_wait3A_58 : memref<10112x16xf32, #tpu.memory_space<vmem_shared>>)
        tpu.yield
      }) : () -> ()
      %dma_wait3A_38 = arith.constant 79 : i32
      %dma_wait3A_39 = arith.constant 0 : i32
      %dma_wait3A_40 = tpu.memref_slice %arg6[%dma_wait3A_38, %dma_wait3A_39] : memref<80x128xi32, #tpu.memory_space<vmem>> -> memref<1x128xi32, #tpu.memory_space<vmem>>
      %dma_wait3A_41 = tpu.memref_squeeze %dma_wait3A_40 : memref<1x128xi32, #tpu.memory_space<vmem>> -> memref<128xi32, #tpu.memory_space<vmem>>
      %dma_wait3A_42 = arith.constant 0 : i32
      %dma_wait3A_43 = arith.constant 0 : i32
      %dma_wait3A_44 = tpu.memref_slice %arg10[%dma_wait3A_42, %dma_wait3A_43] : memref<10112x16xf32, #tpu.memory_space<vmem_shared>> -> memref<10112x16xf32, #tpu.memory_space<vmem_shared>>
      tpu.wait_indirect_dma semaphore(%arg13 : memref<!tpu.dma_semaphore, #tpu.memory_space<semaphore_mem>>) src(%dma_wait3A_44 : memref<10112x16xf32, #tpu.memory_space<vmem_shared>>) dst(%arg9 : memref<128x16xf32, #tpu.memory_space<vmem>>)
      %run_scoped3A_45 = arith.constant 79 : i32
      "tpu.region"() ({
        %run_scoped3A_46 = tpu.sem_alloc : memref<!tpu.dma_semaphore, #tpu.memory_space<semaphore_mem>>
        %dma_start3A_47 = arith.constant 0 : i32
        %dma_start3A_48 = tpu.memref_slice %arg7[%run_scoped3A_45, %dma_start3A_47] : memref<80x128xi32, #tpu.memory_space<vmem>> -> memref<1x128xi32, #tpu.memory_space<vmem>>
        %dma_start3A_49 = tpu.memref_squeeze %dma_start3A_48 : memref<1x128xi32, #tpu.memory_space<vmem>> -> memref<128xi32, #tpu.memory_space<vmem>>
        %dma_start3A_50 = arith.constant 0 : i32
        %dma_start3A_51 = arith.constant 0 : i32
        %dma_start3A_52 = tpu.memref_slice %arg11[%dma_start3A_50, %dma_start3A_51] : memref<10112x16xf32, #tpu.memory_space<vmem_shared>> -> memref<10112x16xf32, #tpu.memory_space<vmem_shared>>
        tpu.enqueue_indirect_dma source(%arg9 : memref<128x16xf32, #tpu.memory_space<vmem>>) target(%dma_start3A_52 : memref<10112x16xf32, #tpu.memory_space<vmem_shared>>) offsets(%dma_start3A_49 : memref<128xi32, #tpu.memory_space<vmem>>) semaphore(%run_scoped3A_46 : memref<!tpu.dma_semaphore, #tpu.memory_space<semaphore_mem>>) {add = true}
        %dma_wait3A_53 = arith.constant 0 : i32
        %dma_wait3A_54 = tpu.memref_slice %arg7[%run_scoped3A_45, %dma_wait3A_53] : memref<80x128xi32, #tpu.memory_space<vmem>> -> memref<1x128xi32, #tpu.memory_space<vmem>>
        %dma_wait3A_55 = tpu.memref_squeeze %dma_wait3A_54 : memref<1x128xi32, #tpu.memory_space<vmem>> -> memref<128xi32, #tpu.memory_space<vmem>>
        %dma_wait3A_56 = arith.constant 0 : i32
        %dma_wait3A_57 = arith.constant 0 : i32
        %dma_wait3A_58 = tpu.memref_slice %arg11[%dma_wait3A_56, %dma_wait3A_57] : memref<10112x16xf32, #tpu.memory_space<vmem_shared>> -> memref<10112x16xf32, #tpu.memory_space<vmem_shared>>
        tpu.wait_indirect_dma semaphore(%run_scoped3A_46 : memref<!tpu.dma_semaphore, #tpu.memory_space<semaphore_mem>>) src(%arg9 : memref<128x16xf32, #tpu.memory_space<vmem>>) dst(%dma_wait3A_58 : memref<10112x16xf32, #tpu.memory_space<vmem_shared>>)
        tpu.yield
      }) : () -> ()
    }
    %scan3A_4 = arith.constant 2 : i32
    %barrier3A_5 = arith.constant 0 : index
    tpu.barrier barrier_id(%barrier3A_5)
    "tpu.region"() ({
      %run_scoped3A = tpu.sem_alloc : memref<!tpu.dma_semaphore, #tpu.memory_space<semaphore_mem>>
      %dma_start3A = arith.constant 0 : i32
      %dma_start3A_6 = tpu.memref_slice %arg5[%arg0, %mul3A_0, %dma_start3A] : memref<2x10112x16xf32, #tpu.memory_space<hbm>> -> memref<1x632x16xf32, #tpu.memory_space<hbm>>
      %dma_start3A_7 = tpu.memref_squeeze %dma_start3A_6 : memref<1x632x16xf32, #tpu.memory_space<hbm>> -> memref<632x16xf32, #tpu.memory_space<hbm>>
      %dma_start3A_8 = arith.constant 0 : i32
      %dma_start3A_9 = tpu.memref_slice %arg11[%mul3A_0, %dma_start3A_8] : memref<10112x16xf32, #tpu.memory_space<vmem_shared>> -> memref<632x16xf32, #tpu.memory_space<vmem_shared>>
      tpu.enqueue_dma source(%dma_start3A_9 : memref<632x16xf32, #tpu.memory_space<vmem_shared>>) target(%dma_start3A_7 : memref<632x16xf32, #tpu.memory_space<hbm>>) target_semaphore(%run_scoped3A : memref<!tpu.dma_semaphore, #tpu.memory_space<semaphore_mem>>)
      %dma_wait3A = arith.constant 0 : i32
      %dma_wait3A_10 = tpu.memref_slice %arg5[%arg0, %mul3A_0, %dma_wait3A] : memref<2x10112x16xf32, #tpu.memory_space<hbm>> -> memref<1x632x16xf32, #tpu.memory_space<hbm>>
      %dma_wait3A_11 = tpu.memref_squeeze %dma_wait3A_10 : memref<1x632x16xf32, #tpu.memory_space<hbm>> -> memref<632x16xf32, #tpu.memory_space<hbm>>
      %dma_wait3A_12 = arith.constant 0 : i32
      %dma_wait3A_13 = tpu.memref_slice %arg11[%mul3A_0, %dma_wait3A_12] : memref<10112x16xf32, #tpu.memory_space<vmem_shared>> -> memref<632x16xf32, #tpu.memory_space<vmem_shared>>
      tpu.wait_dma2 semaphore(%run_scoped3A : memref<!tpu.dma_semaphore, #tpu.memory_space<semaphore_mem>>) src(%dma_wait3A_13 : memref<632x16xf32, #tpu.memory_space<vmem_shared>>) dst(%dma_wait3A_11 : memref<632x16xf32, #tpu.memory_space<hbm>>)
      tpu.yield
    }) : () -> ()
    return
  }
}

#map = affine_map<(d0, d1) -> (0, 0, 0)>
module attributes {stable_mosaic.version = 14 : i64} {
  func.func @agg_kernel(%arg0: i32, %arg1: i32, %arg2: memref<2x10112x64xf32, #tpu.memory_space<hbm>>, %arg3: memref<16x160x128xi32, #tpu.memory_space<hbm>>, %arg4: memref<16x160x128xi32, #tpu.memory_space<hbm>>, %arg5: memref<2x10112x64xf32, #tpu.memory_space<hbm>>, %arg6: memref<80x128xi32, #tpu.memory_space<vmem>>, %arg7: memref<80x128xi32, #tpu.memory_space<vmem>>, %arg8: memref<128x64xf32, #tpu.memory_space<vmem>>, %arg9: memref<128x64xf32, #tpu.memory_space<vmem>>, %arg10: memref<10112x64xf32, #tpu.memory_space<vmem_shared>>, %arg11: memref<10112x64xf32, #tpu.memory_space<vmem_shared>>, %arg12: memref<!tpu.dma_semaphore, #tpu.memory_space<semaphore_mem>>, %arg13: memref<!tpu.dma_semaphore, #tpu.memory_space<semaphore_mem>>) attributes {dimension_semantics = [#tpu.dimension_semantics<core_parallel>, #tpu.dimension_semantics<subcore_parallel>], iteration_bounds = array<i64: 2, 16>, scalar_prefetch = 0 : i64, scratch_operands = 8 : i64, tpu.core_type = #tpu.core_type<sc_vector_subcore>, window_params = [{transform_indices = #map}, {transform_indices = #map}, {transform_indices = #map}, {transform_indices = #map}]} {
    %mul3A = arith.constant 632 : i32
    %mul3A_0 = arith.muli %arg1, %mul3A : i32
    "tpu.region"() ({
      %run_scoped3A = tpu.sem_alloc : memref<!tpu.dma_semaphore, #tpu.memory_space<semaphore_mem>>
      %dma_start3A = arith.constant 0 : i32
      %dma_start3A_6 = tpu.memref_slice %arg10[%mul3A_0, %dma_start3A] : memref<10112x64xf32, #tpu.memory_space<vmem_shared>> -> memref<632x64xf32, #tpu.memory_space<vmem_shared>>
      %dma_start3A_7 = arith.constant 0 : i32
      %dma_start3A_8 = tpu.memref_slice %arg2[%arg0, %mul3A_0, %dma_start3A_7] : memref<2x10112x64xf32, #tpu.memory_space<hbm>> -> memref<1x632x64xf32, #tpu.memory_space<hbm>>
      %dma_start3A_9 = tpu.memref_squeeze %dma_start3A_8 : memref<1x632x64xf32, #tpu.memory_space<hbm>> -> memref<632x64xf32, #tpu.memory_space<hbm>>
      tpu.enqueue_dma source(%dma_start3A_9 : memref<632x64xf32, #tpu.memory_space<hbm>>) target(%dma_start3A_6 : memref<632x64xf32, #tpu.memory_space<vmem_shared>>) target_semaphore(%run_scoped3A : memref<!tpu.dma_semaphore, #tpu.memory_space<semaphore_mem>>)
      %dma_wait3A = arith.constant 0 : i32
      %dma_wait3A_10 = tpu.memref_slice %arg10[%mul3A_0, %dma_wait3A] : memref<10112x64xf32, #tpu.memory_space<vmem_shared>> -> memref<632x64xf32, #tpu.memory_space<vmem_shared>>
      %dma_wait3A_11 = arith.constant 0 : i32
      %dma_wait3A_12 = tpu.memref_slice %arg2[%arg0, %mul3A_0, %dma_wait3A_11] : memref<2x10112x64xf32, #tpu.memory_space<hbm>> -> memref<1x632x64xf32, #tpu.memory_space<hbm>>
      %dma_wait3A_13 = tpu.memref_squeeze %dma_wait3A_12 : memref<1x632x64xf32, #tpu.memory_space<hbm>> -> memref<632x64xf32, #tpu.memory_space<hbm>>
      tpu.wait_dma2 semaphore(%run_scoped3A : memref<!tpu.dma_semaphore, #tpu.memory_space<semaphore_mem>>) src(%dma_wait3A_13 : memref<632x64xf32, #tpu.memory_space<hbm>>) dst(%dma_wait3A_10 : memref<632x64xf32, #tpu.memory_space<vmem_shared>>)
      tpu.yield
    }) : () -> ()
    "tpu.region"() ({
      %run_scoped3A = tpu.sem_alloc : memref<!tpu.dma_semaphore, #tpu.memory_space<semaphore_mem>>
      %dma_start3A = arith.constant 0 : i32
      %dma_start3A_6 = tpu.memref_slice %arg11[%mul3A_0, %dma_start3A] : memref<10112x64xf32, #tpu.memory_space<vmem_shared>> -> memref<632x64xf32, #tpu.memory_space<vmem_shared>>
      %dma_start3A_7 = arith.constant 0 : i32
      %dma_start3A_8 = tpu.memref_slice %arg2[%arg0, %mul3A_0, %dma_start3A_7] : memref<2x10112x64xf32, #tpu.memory_space<hbm>> -> memref<1x632x64xf32, #tpu.memory_space<hbm>>
      %dma_start3A_9 = tpu.memref_squeeze %dma_start3A_8 : memref<1x632x64xf32, #tpu.memory_space<hbm>> -> memref<632x64xf32, #tpu.memory_space<hbm>>
      tpu.enqueue_dma source(%dma_start3A_9 : memref<632x64xf32, #tpu.memory_space<hbm>>) target(%dma_start3A_6 : memref<632x64xf32, #tpu.memory_space<vmem_shared>>) target_semaphore(%run_scoped3A : memref<!tpu.dma_semaphore, #tpu.memory_space<semaphore_mem>>)
      %dma_wait3A = arith.constant 0 : i32
      %dma_wait3A_10 = tpu.memref_slice %arg11[%mul3A_0, %dma_wait3A] : memref<10112x64xf32, #tpu.memory_space<vmem_shared>> -> memref<632x64xf32, #tpu.memory_space<vmem_shared>>
      %dma_wait3A_11 = arith.constant 0 : i32
      %dma_wait3A_12 = tpu.memref_slice %arg2[%arg0, %mul3A_0, %dma_wait3A_11] : memref<2x10112x64xf32, #tpu.memory_space<hbm>> -> memref<1x632x64xf32, #tpu.memory_space<hbm>>
      %dma_wait3A_13 = tpu.memref_squeeze %dma_wait3A_12 : memref<1x632x64xf32, #tpu.memory_space<hbm>> -> memref<632x64xf32, #tpu.memory_space<hbm>>
      tpu.wait_dma2 semaphore(%run_scoped3A : memref<!tpu.dma_semaphore, #tpu.memory_space<semaphore_mem>>) src(%dma_wait3A_13 : memref<632x64xf32, #tpu.memory_space<hbm>>) dst(%dma_wait3A_10 : memref<632x64xf32, #tpu.memory_space<vmem_shared>>)
      tpu.yield
    }) : () -> ()
    %barrier3A = arith.constant 0 : index
    tpu.barrier barrier_id(%barrier3A)
    %scan3A = arith.constant 0 : i32
    %scan3A_1 = arith.constant 2 : i32
    %scan3A_2 = arith.addi %scan3A, %scan3A_1 : i32
    %scan3A_3 = arith.constant 1 : i32
    scf.for %scan3A_6 = %scan3A to %scan3A_2 step %scan3A_3  : i32 {
      %mul3A_7 = arith.constant 1 : i32
      %mul3A_8 = arith.muli %scan3A_6, %mul3A_7 : i32
      %add3A = arith.constant 0 : i32
      %add3A_9 = arith.addi %add3A, %mul3A_8 : i32
      %mul3A_10 = arith.constant 80 : i32
      %mul3A_11 = arith.muli %add3A_9, %mul3A_10 : i32
      "tpu.region"() ({
        %run_scoped3A_46 = tpu.sem_alloc : memref<!tpu.dma_semaphore, #tpu.memory_space<semaphore_mem>>
        %dma_start3A_47 = arith.constant 0 : i32
        %dma_start3A_48 = tpu.memref_slice %arg3[%arg1, %mul3A_11, %dma_start3A_47] : memref<16x160x128xi32, #tpu.memory_space<hbm>> -> memref<1x80x128xi32, #tpu.memory_space<hbm>>
        %dma_start3A_49 = tpu.memref_squeeze %dma_start3A_48 : memref<1x80x128xi32, #tpu.memory_space<hbm>> -> memref<80x128xi32, #tpu.memory_space<hbm>>
        %dma_start3A_50 = arith.constant 0 : i32
        %dma_start3A_51 = tpu.memref_slice %arg3[%arg1, %mul3A_11, %dma_start3A_50] : memref<16x160x128xi32, #tpu.memory_space<hbm>> -> memref<1x80x128xi32, #tpu.memory_space<hbm>>
        %dma_start3A_52 = tpu.memref_squeeze %dma_start3A_51 : memref<1x80x128xi32, #tpu.memory_space<hbm>> -> memref<80x128xi32, #tpu.memory_space<hbm>>
        tpu.enqueue_dma source(%dma_start3A_52 : memref<80x128xi32, #tpu.memory_space<hbm>>) target(%arg6 : memref<80x128xi32, #tpu.memory_space<vmem>>) target_semaphore(%run_scoped3A_46 : memref<!tpu.dma_semaphore, #tpu.memory_space<semaphore_mem>>)
        %dma_wait3A_53 = arith.constant 0 : i32
        %dma_wait3A_54 = tpu.memref_slice %arg3[%arg1, %mul3A_11, %dma_wait3A_53] : memref<16x160x128xi32, #tpu.memory_space<hbm>> -> memref<1x80x128xi32, #tpu.memory_space<hbm>>
        %dma_wait3A_55 = tpu.memref_squeeze %dma_wait3A_54 : memref<1x80x128xi32, #tpu.memory_space<hbm>> -> memref<80x128xi32, #tpu.memory_space<hbm>>
        %dma_wait3A_56 = arith.constant 0 : i32
        %dma_wait3A_57 = tpu.memref_slice %arg3[%arg1, %mul3A_11, %dma_wait3A_56] : memref<16x160x128xi32, #tpu.memory_space<hbm>> -> memref<1x80x128xi32, #tpu.memory_space<hbm>>
        %dma_wait3A_58 = tpu.memref_squeeze %dma_wait3A_57 : memref<1x80x128xi32, #tpu.memory_space<hbm>> -> memref<80x128xi32, #tpu.memory_space<hbm>>
        tpu.wait_dma2 semaphore(%run_scoped3A_46 : memref<!tpu.dma_semaphore, #tpu.memory_space<semaphore_mem>>) src(%dma_wait3A_58 : memref<80x128xi32, #tpu.memory_space<hbm>>) dst(%arg6 : memref<80x128xi32, #tpu.memory_space<vmem>>)
        tpu.yield
      }) : () -> ()
      %mul3A_12 = arith.constant 80 : i32
      %mul3A_13 = arith.muli %add3A_9, %mul3A_12 : i32
      "tpu.region"() ({
        %run_scoped3A_46 = tpu.sem_alloc : memref<!tpu.dma_semaphore, #tpu.memory_space<semaphore_mem>>
        %dma_start3A_47 = arith.constant 0 : i32
        %dma_start3A_48 = tpu.memref_slice %arg4[%arg1, %mul3A_13, %dma_start3A_47] : memref<16x160x128xi32, #tpu.memory_space<hbm>> -> memref<1x80x128xi32, #tpu.memory_space<hbm>>
        %dma_start3A_49 = tpu.memref_squeeze %dma_start3A_48 : memref<1x80x128xi32, #tpu.memory_space<hbm>> -> memref<80x128xi32, #tpu.memory_space<hbm>>
        %dma_start3A_50 = arith.constant 0 : i32
        %dma_start3A_51 = tpu.memref_slice %arg4[%arg1, %mul3A_13, %dma_start3A_50] : memref<16x160x128xi32, #tpu.memory_space<hbm>> -> memref<1x80x128xi32, #tpu.memory_space<hbm>>
        %dma_start3A_52 = tpu.memref_squeeze %dma_start3A_51 : memref<1x80x128xi32, #tpu.memory_space<hbm>> -> memref<80x128xi32, #tpu.memory_space<hbm>>
        tpu.enqueue_dma source(%dma_start3A_52 : memref<80x128xi32, #tpu.memory_space<hbm>>) target(%arg7 : memref<80x128xi32, #tpu.memory_space<vmem>>) target_semaphore(%run_scoped3A_46 : memref<!tpu.dma_semaphore, #tpu.memory_space<semaphore_mem>>)
        %dma_wait3A_53 = arith.constant 0 : i32
        %dma_wait3A_54 = tpu.memref_slice %arg4[%arg1, %mul3A_13, %dma_wait3A_53] : memref<16x160x128xi32, #tpu.memory_space<hbm>> -> memref<1x80x128xi32, #tpu.memory_space<hbm>>
        %dma_wait3A_55 = tpu.memref_squeeze %dma_wait3A_54 : memref<1x80x128xi32, #tpu.memory_space<hbm>> -> memref<80x128xi32, #tpu.memory_space<hbm>>
        %dma_wait3A_56 = arith.constant 0 : i32
        %dma_wait3A_57 = tpu.memref_slice %arg4[%arg1, %mul3A_13, %dma_wait3A_56] : memref<16x160x128xi32, #tpu.memory_space<hbm>> -> memref<1x80x128xi32, #tpu.memory_space<hbm>>
        %dma_wait3A_58 = tpu.memref_squeeze %dma_wait3A_57 : memref<1x80x128xi32, #tpu.memory_space<hbm>> -> memref<80x128xi32, #tpu.memory_space<hbm>>
        tpu.wait_dma2 semaphore(%run_scoped3A_46 : memref<!tpu.dma_semaphore, #tpu.memory_space<semaphore_mem>>) src(%dma_wait3A_58 : memref<80x128xi32, #tpu.memory_space<hbm>>) dst(%arg7 : memref<80x128xi32, #tpu.memory_space<vmem>>)
        tpu.yield
      }) : () -> ()
      %dma_start3A = arith.constant 0 : i32
      %dma_start3A_14 = arith.constant 0 : i32
      %dma_start3A_15 = tpu.memref_slice %arg6[%dma_start3A, %dma_start3A_14] : memref<80x128xi32, #tpu.memory_space<vmem>> -> memref<1x128xi32, #tpu.memory_space<vmem>>
      %dma_start3A_16 = tpu.memref_squeeze %dma_start3A_15 : memref<1x128xi32, #tpu.memory_space<vmem>> -> memref<128xi32, #tpu.memory_space<vmem>>
      %dma_start3A_17 = arith.constant 0 : i32
      %dma_start3A_18 = arith.constant 0 : i32
      %dma_start3A_19 = tpu.memref_slice %arg10[%dma_start3A_17, %dma_start3A_18] : memref<10112x64xf32, #tpu.memory_space<vmem_shared>> -> memref<10112x64xf32, #tpu.memory_space<vmem_shared>>
      tpu.enqueue_indirect_dma source(%dma_start3A_19 : memref<10112x64xf32, #tpu.memory_space<vmem_shared>>) target(%arg8 : memref<128x64xf32, #tpu.memory_space<vmem>>) offsets(%dma_start3A_16 : memref<128xi32, #tpu.memory_space<vmem>>) semaphore(%arg12 : memref<!tpu.dma_semaphore, #tpu.memory_space<semaphore_mem>>)
      %dma_start3A_20 = arith.constant 1 : i32
      %dma_start3A_21 = arith.constant 0 : i32
      %dma_start3A_22 = tpu.memref_slice %arg6[%dma_start3A_20, %dma_start3A_21] : memref<80x128xi32, #tpu.memory_space<vmem>> -> memref<1x128xi32, #tpu.memory_space<vmem>>
      %dma_start3A_23 = tpu.memref_squeeze %dma_start3A_22 : memref<1x128xi32, #tpu.memory_space<vmem>> -> memref<128xi32, #tpu.memory_space<vmem>>
      %dma_start3A_24 = arith.constant 0 : i32
      %dma_start3A_25 = arith.constant 0 : i32
      %dma_start3A_26 = tpu.memref_slice %arg10[%dma_start3A_24, %dma_start3A_25] : memref<10112x64xf32, #tpu.memory_space<vmem_shared>> -> memref<10112x64xf32, #tpu.memory_space<vmem_shared>>
      tpu.enqueue_indirect_dma source(%dma_start3A_26 : memref<10112x64xf32, #tpu.memory_space<vmem_shared>>) target(%arg9 : memref<128x64xf32, #tpu.memory_space<vmem>>) offsets(%dma_start3A_23 : memref<128xi32, #tpu.memory_space<vmem>>) semaphore(%arg13 : memref<!tpu.dma_semaphore, #tpu.memory_space<semaphore_mem>>)
      %scan3A_27 = arith.constant 0 : i32
      %scan3A_28 = arith.constant 39 : i32
      %scan3A_29 = arith.addi %scan3A_27, %scan3A_28 : i32
      %scan3A_30 = arith.constant 1 : i32
      scf.for %scan3A_46 = %scan3A_27 to %scan3A_29 step %scan3A_30  : i32 {
        %mul3A_47 = arith.constant 2 : i32
        %mul3A_48 = arith.muli %scan3A_46, %mul3A_47 : i32
        %add3A_49 = arith.constant 2 : i32
        %add3A_50 = arith.addi %add3A_49, %mul3A_48 : i32
        %sub3A = arith.constant 2 : i32
        %sub3A_51 = arith.subi %add3A_50, %sub3A : i32
        %add3A_52 = arith.constant 0 : i32
        %add3A_53 = arith.addi %sub3A_51, %add3A_52 : i32
        %dma_wait3A_54 = arith.constant 0 : i32
        %dma_wait3A_55 = tpu.memref_slice %arg6[%add3A_53, %dma_wait3A_54] : memref<80x128xi32, #tpu.memory_space<vmem>> -> memref<1x128xi32, #tpu.memory_space<vmem>>
        %dma_wait3A_56 = tpu.memref_squeeze %dma_wait3A_55 : memref<1x128xi32, #tpu.memory_space<vmem>> -> memref<128xi32, #tpu.memory_space<vmem>>
        %dma_wait3A_57 = arith.constant 0 : i32
        %dma_wait3A_58 = arith.constant 0 : i32
        %dma_wait3A_59 = tpu.memref_slice %arg10[%dma_wait3A_57, %dma_wait3A_58] : memref<10112x64xf32, #tpu.memory_space<vmem_shared>> -> memref<10112x64xf32, #tpu.memory_space<vmem_shared>>
        tpu.wait_indirect_dma semaphore(%arg12 : memref<!tpu.dma_semaphore, #tpu.memory_space<semaphore_mem>>) src(%dma_wait3A_59 : memref<10112x64xf32, #tpu.memory_space<vmem_shared>>) dst(%arg8 : memref<128x64xf32, #tpu.memory_space<vmem>>)
        %sub3A_60 = arith.constant 2 : i32
        %sub3A_61 = arith.subi %add3A_50, %sub3A_60 : i32
        %add3A_62 = arith.constant 0 : i32
        %add3A_63 = arith.addi %sub3A_61, %add3A_62 : i32
        "tpu.region"() ({
          %run_scoped3A_94 = tpu.sem_alloc : memref<!tpu.dma_semaphore, #tpu.memory_space<semaphore_mem>>
          %dma_start3A_95 = arith.constant 0 : i32
          %dma_start3A_96 = tpu.memref_slice %arg7[%add3A_63, %dma_start3A_95] : memref<80x128xi32, #tpu.memory_space<vmem>> -> memref<1x128xi32, #tpu.memory_space<vmem>>
          %dma_start3A_97 = tpu.memref_squeeze %dma_start3A_96 : memref<1x128xi32, #tpu.memory_space<vmem>> -> memref<128xi32, #tpu.memory_space<vmem>>
          %dma_start3A_98 = arith.constant 0 : i32
          %dma_start3A_99 = arith.constant 0 : i32
          %dma_start3A_100 = tpu.memref_slice %arg11[%dma_start3A_98, %dma_start3A_99] : memref<10112x64xf32, #tpu.memory_space<vmem_shared>> -> memref<10112x64xf32, #tpu.memory_space<vmem_shared>>
          tpu.enqueue_indirect_dma source(%arg8 : memref<128x64xf32, #tpu.memory_space<vmem>>) target(%dma_start3A_100 : memref<10112x64xf32, #tpu.memory_space<vmem_shared>>) offsets(%dma_start3A_97 : memref<128xi32, #tpu.memory_space<vmem>>) semaphore(%run_scoped3A_94 : memref<!tpu.dma_semaphore, #tpu.memory_space<semaphore_mem>>) {add = true}
          %dma_wait3A_101 = arith.constant 0 : i32
          %dma_wait3A_102 = tpu.memref_slice %arg7[%add3A_63, %dma_wait3A_101] : memref<80x128xi32, #tpu.memory_space<vmem>> -> memref<1x128xi32, #tpu.memory_space<vmem>>
          %dma_wait3A_103 = tpu.memref_squeeze %dma_wait3A_102 : memref<1x128xi32, #tpu.memory_space<vmem>> -> memref<128xi32, #tpu.memory_space<vmem>>
          %dma_wait3A_104 = arith.constant 0 : i32
          %dma_wait3A_105 = arith.constant 0 : i32
          %dma_wait3A_106 = tpu.memref_slice %arg11[%dma_wait3A_104, %dma_wait3A_105] : memref<10112x64xf32, #tpu.memory_space<vmem_shared>> -> memref<10112x64xf32, #tpu.memory_space<vmem_shared>>
          tpu.wait_indirect_dma semaphore(%run_scoped3A_94 : memref<!tpu.dma_semaphore, #tpu.memory_space<semaphore_mem>>) src(%arg8 : memref<128x64xf32, #tpu.memory_space<vmem>>) dst(%dma_wait3A_106 : memref<10112x64xf32, #tpu.memory_space<vmem_shared>>)
          tpu.yield
        }) : () -> ()
        %add3A_64 = arith.constant 0 : i32
        %add3A_65 = arith.addi %add3A_50, %add3A_64 : i32
        %dma_start3A_66 = arith.constant 0 : i32
        %dma_start3A_67 = tpu.memref_slice %arg6[%add3A_65, %dma_start3A_66] : memref<80x128xi32, #tpu.memory_space<vmem>> -> memref<1x128xi32, #tpu.memory_space<vmem>>
        %dma_start3A_68 = tpu.memref_squeeze %dma_start3A_67 : memref<1x128xi32, #tpu.memory_space<vmem>> -> memref<128xi32, #tpu.memory_space<vmem>>
        %dma_start3A_69 = arith.constant 0 : i32
        %dma_start3A_70 = arith.constant 0 : i32
        %dma_start3A_71 = tpu.memref_slice %arg10[%dma_start3A_69, %dma_start3A_70] : memref<10112x64xf32, #tpu.memory_space<vmem_shared>> -> memref<10112x64xf32, #tpu.memory_space<vmem_shared>>
        tpu.enqueue_indirect_dma source(%dma_start3A_71 : memref<10112x64xf32, #tpu.memory_space<vmem_shared>>) target(%arg8 : memref<128x64xf32, #tpu.memory_space<vmem>>) offsets(%dma_start3A_68 : memref<128xi32, #tpu.memory_space<vmem>>) semaphore(%arg12 : memref<!tpu.dma_semaphore, #tpu.memory_space<semaphore_mem>>)
        %sub3A_72 = arith.constant 2 : i32
        %sub3A_73 = arith.subi %add3A_50, %sub3A_72 : i32
        %add3A_74 = arith.constant 1 : i32
        %add3A_75 = arith.addi %sub3A_73, %add3A_74 : i32
        %dma_wait3A_76 = arith.constant 0 : i32
        %dma_wait3A_77 = tpu.memref_slice %arg6[%add3A_75, %dma_wait3A_76] : memref<80x128xi32, #tpu.memory_space<vmem>> -> memref<1x128xi32, #tpu.memory_space<vmem>>
        %dma_wait3A_78 = tpu.memref_squeeze %dma_wait3A_77 : memref<1x128xi32, #tpu.memory_space<vmem>> -> memref<128xi32, #tpu.memory_space<vmem>>
        %dma_wait3A_79 = arith.constant 0 : i32
        %dma_wait3A_80 = arith.constant 0 : i32
        %dma_wait3A_81 = tpu.memref_slice %arg10[%dma_wait3A_79, %dma_wait3A_80] : memref<10112x64xf32, #tpu.memory_space<vmem_shared>> -> memref<10112x64xf32, #tpu.memory_space<vmem_shared>>
        tpu.wait_indirect_dma semaphore(%arg13 : memref<!tpu.dma_semaphore, #tpu.memory_space<semaphore_mem>>) src(%dma_wait3A_81 : memref<10112x64xf32, #tpu.memory_space<vmem_shared>>) dst(%arg9 : memref<128x64xf32, #tpu.memory_space<vmem>>)
        %sub3A_82 = arith.constant 2 : i32
        %sub3A_83 = arith.subi %add3A_50, %sub3A_82 : i32
        %add3A_84 = arith.constant 1 : i32
        %add3A_85 = arith.addi %sub3A_83, %add3A_84 : i32
        "tpu.region"() ({
          %run_scoped3A_94 = tpu.sem_alloc : memref<!tpu.dma_semaphore, #tpu.memory_space<semaphore_mem>>
          %dma_start3A_95 = arith.constant 0 : i32
          %dma_start3A_96 = tpu.memref_slice %arg7[%add3A_85, %dma_start3A_95] : memref<80x128xi32, #tpu.memory_space<vmem>> -> memref<1x128xi32, #tpu.memory_space<vmem>>
          %dma_start3A_97 = tpu.memref_squeeze %dma_start3A_96 : memref<1x128xi32, #tpu.memory_space<vmem>> -> memref<128xi32, #tpu.memory_space<vmem>>
          %dma_start3A_98 = arith.constant 0 : i32
          %dma_start3A_99 = arith.constant 0 : i32
          %dma_start3A_100 = tpu.memref_slice %arg11[%dma_start3A_98, %dma_start3A_99] : memref<10112x64xf32, #tpu.memory_space<vmem_shared>> -> memref<10112x64xf32, #tpu.memory_space<vmem_shared>>
          tpu.enqueue_indirect_dma source(%arg9 : memref<128x64xf32, #tpu.memory_space<vmem>>) target(%dma_start3A_100 : memref<10112x64xf32, #tpu.memory_space<vmem_shared>>) offsets(%dma_start3A_97 : memref<128xi32, #tpu.memory_space<vmem>>) semaphore(%run_scoped3A_94 : memref<!tpu.dma_semaphore, #tpu.memory_space<semaphore_mem>>) {add = true}
          %dma_wait3A_101 = arith.constant 0 : i32
          %dma_wait3A_102 = tpu.memref_slice %arg7[%add3A_85, %dma_wait3A_101] : memref<80x128xi32, #tpu.memory_space<vmem>> -> memref<1x128xi32, #tpu.memory_space<vmem>>
          %dma_wait3A_103 = tpu.memref_squeeze %dma_wait3A_102 : memref<1x128xi32, #tpu.memory_space<vmem>> -> memref<128xi32, #tpu.memory_space<vmem>>
          %dma_wait3A_104 = arith.constant 0 : i32
          %dma_wait3A_105 = arith.constant 0 : i32
          %dma_wait3A_106 = tpu.memref_slice %arg11[%dma_wait3A_104, %dma_wait3A_105] : memref<10112x64xf32, #tpu.memory_space<vmem_shared>> -> memref<10112x64xf32, #tpu.memory_space<vmem_shared>>
          tpu.wait_indirect_dma semaphore(%run_scoped3A_94 : memref<!tpu.dma_semaphore, #tpu.memory_space<semaphore_mem>>) src(%arg9 : memref<128x64xf32, #tpu.memory_space<vmem>>) dst(%dma_wait3A_106 : memref<10112x64xf32, #tpu.memory_space<vmem_shared>>)
          tpu.yield
        }) : () -> ()
        %add3A_86 = arith.constant 1 : i32
        %add3A_87 = arith.addi %add3A_50, %add3A_86 : i32
        %dma_start3A_88 = arith.constant 0 : i32
        %dma_start3A_89 = tpu.memref_slice %arg6[%add3A_87, %dma_start3A_88] : memref<80x128xi32, #tpu.memory_space<vmem>> -> memref<1x128xi32, #tpu.memory_space<vmem>>
        %dma_start3A_90 = tpu.memref_squeeze %dma_start3A_89 : memref<1x128xi32, #tpu.memory_space<vmem>> -> memref<128xi32, #tpu.memory_space<vmem>>
        %dma_start3A_91 = arith.constant 0 : i32
        %dma_start3A_92 = arith.constant 0 : i32
        %dma_start3A_93 = tpu.memref_slice %arg10[%dma_start3A_91, %dma_start3A_92] : memref<10112x64xf32, #tpu.memory_space<vmem_shared>> -> memref<10112x64xf32, #tpu.memory_space<vmem_shared>>
        tpu.enqueue_indirect_dma source(%dma_start3A_93 : memref<10112x64xf32, #tpu.memory_space<vmem_shared>>) target(%arg9 : memref<128x64xf32, #tpu.memory_space<vmem>>) offsets(%dma_start3A_90 : memref<128xi32, #tpu.memory_space<vmem>>) semaphore(%arg13 : memref<!tpu.dma_semaphore, #tpu.memory_space<semaphore_mem>>)
      }
      %scan3A_31 = arith.constant 39 : i32
      %dma_wait3A = arith.constant 78 : i32
      %dma_wait3A_32 = arith.constant 0 : i32
      %dma_wait3A_33 = tpu.memref_slice %arg6[%dma_wait3A, %dma_wait3A_32] : memref<80x128xi32, #tpu.memory_space<vmem>> -> memref<1x128xi32, #tpu.memory_space<vmem>>
      %dma_wait3A_34 = tpu.memref_squeeze %dma_wait3A_33 : memref<1x128xi32, #tpu.memory_space<vmem>> -> memref<128xi32, #tpu.memory_space<vmem>>
      %dma_wait3A_35 = arith.constant 0 : i32
      %dma_wait3A_36 = arith.constant 0 : i32
      %dma_wait3A_37 = tpu.memref_slice %arg10[%dma_wait3A_35, %dma_wait3A_36] : memref<10112x64xf32, #tpu.memory_space<vmem_shared>> -> memref<10112x64xf32, #tpu.memory_space<vmem_shared>>
      tpu.wait_indirect_dma semaphore(%arg12 : memref<!tpu.dma_semaphore, #tpu.memory_space<semaphore_mem>>) src(%dma_wait3A_37 : memref<10112x64xf32, #tpu.memory_space<vmem_shared>>) dst(%arg8 : memref<128x64xf32, #tpu.memory_space<vmem>>)
      %run_scoped3A = arith.constant 78 : i32
      "tpu.region"() ({
        %run_scoped3A_46 = tpu.sem_alloc : memref<!tpu.dma_semaphore, #tpu.memory_space<semaphore_mem>>
        %dma_start3A_47 = arith.constant 0 : i32
        %dma_start3A_48 = tpu.memref_slice %arg7[%run_scoped3A, %dma_start3A_47] : memref<80x128xi32, #tpu.memory_space<vmem>> -> memref<1x128xi32, #tpu.memory_space<vmem>>
        %dma_start3A_49 = tpu.memref_squeeze %dma_start3A_48 : memref<1x128xi32, #tpu.memory_space<vmem>> -> memref<128xi32, #tpu.memory_space<vmem>>
        %dma_start3A_50 = arith.constant 0 : i32
        %dma_start3A_51 = arith.constant 0 : i32
        %dma_start3A_52 = tpu.memref_slice %arg11[%dma_start3A_50, %dma_start3A_51] : memref<10112x64xf32, #tpu.memory_space<vmem_shared>> -> memref<10112x64xf32, #tpu.memory_space<vmem_shared>>
        tpu.enqueue_indirect_dma source(%arg8 : memref<128x64xf32, #tpu.memory_space<vmem>>) target(%dma_start3A_52 : memref<10112x64xf32, #tpu.memory_space<vmem_shared>>) offsets(%dma_start3A_49 : memref<128xi32, #tpu.memory_space<vmem>>) semaphore(%run_scoped3A_46 : memref<!tpu.dma_semaphore, #tpu.memory_space<semaphore_mem>>) {add = true}
        %dma_wait3A_53 = arith.constant 0 : i32
        %dma_wait3A_54 = tpu.memref_slice %arg7[%run_scoped3A, %dma_wait3A_53] : memref<80x128xi32, #tpu.memory_space<vmem>> -> memref<1x128xi32, #tpu.memory_space<vmem>>
        %dma_wait3A_55 = tpu.memref_squeeze %dma_wait3A_54 : memref<1x128xi32, #tpu.memory_space<vmem>> -> memref<128xi32, #tpu.memory_space<vmem>>
        %dma_wait3A_56 = arith.constant 0 : i32
        %dma_wait3A_57 = arith.constant 0 : i32
        %dma_wait3A_58 = tpu.memref_slice %arg11[%dma_wait3A_56, %dma_wait3A_57] : memref<10112x64xf32, #tpu.memory_space<vmem_shared>> -> memref<10112x64xf32, #tpu.memory_space<vmem_shared>>
        tpu.wait_indirect_dma semaphore(%run_scoped3A_46 : memref<!tpu.dma_semaphore, #tpu.memory_space<semaphore_mem>>) src(%arg8 : memref<128x64xf32, #tpu.memory_space<vmem>>) dst(%dma_wait3A_58 : memref<10112x64xf32, #tpu.memory_space<vmem_shared>>)
        tpu.yield
      }) : () -> ()
      %dma_wait3A_38 = arith.constant 79 : i32
      %dma_wait3A_39 = arith.constant 0 : i32
      %dma_wait3A_40 = tpu.memref_slice %arg6[%dma_wait3A_38, %dma_wait3A_39] : memref<80x128xi32, #tpu.memory_space<vmem>> -> memref<1x128xi32, #tpu.memory_space<vmem>>
      %dma_wait3A_41 = tpu.memref_squeeze %dma_wait3A_40 : memref<1x128xi32, #tpu.memory_space<vmem>> -> memref<128xi32, #tpu.memory_space<vmem>>
      %dma_wait3A_42 = arith.constant 0 : i32
      %dma_wait3A_43 = arith.constant 0 : i32
      %dma_wait3A_44 = tpu.memref_slice %arg10[%dma_wait3A_42, %dma_wait3A_43] : memref<10112x64xf32, #tpu.memory_space<vmem_shared>> -> memref<10112x64xf32, #tpu.memory_space<vmem_shared>>
      tpu.wait_indirect_dma semaphore(%arg13 : memref<!tpu.dma_semaphore, #tpu.memory_space<semaphore_mem>>) src(%dma_wait3A_44 : memref<10112x64xf32, #tpu.memory_space<vmem_shared>>) dst(%arg9 : memref<128x64xf32, #tpu.memory_space<vmem>>)
      %run_scoped3A_45 = arith.constant 79 : i32
      "tpu.region"() ({
        %run_scoped3A_46 = tpu.sem_alloc : memref<!tpu.dma_semaphore, #tpu.memory_space<semaphore_mem>>
        %dma_start3A_47 = arith.constant 0 : i32
        %dma_start3A_48 = tpu.memref_slice %arg7[%run_scoped3A_45, %dma_start3A_47] : memref<80x128xi32, #tpu.memory_space<vmem>> -> memref<1x128xi32, #tpu.memory_space<vmem>>
        %dma_start3A_49 = tpu.memref_squeeze %dma_start3A_48 : memref<1x128xi32, #tpu.memory_space<vmem>> -> memref<128xi32, #tpu.memory_space<vmem>>
        %dma_start3A_50 = arith.constant 0 : i32
        %dma_start3A_51 = arith.constant 0 : i32
        %dma_start3A_52 = tpu.memref_slice %arg11[%dma_start3A_50, %dma_start3A_51] : memref<10112x64xf32, #tpu.memory_space<vmem_shared>> -> memref<10112x64xf32, #tpu.memory_space<vmem_shared>>
        tpu.enqueue_indirect_dma source(%arg9 : memref<128x64xf32, #tpu.memory_space<vmem>>) target(%dma_start3A_52 : memref<10112x64xf32, #tpu.memory_space<vmem_shared>>) offsets(%dma_start3A_49 : memref<128xi32, #tpu.memory_space<vmem>>) semaphore(%run_scoped3A_46 : memref<!tpu.dma_semaphore, #tpu.memory_space<semaphore_mem>>) {add = true}
        %dma_wait3A_53 = arith.constant 0 : i32
        %dma_wait3A_54 = tpu.memref_slice %arg7[%run_scoped3A_45, %dma_wait3A_53] : memref<80x128xi32, #tpu.memory_space<vmem>> -> memref<1x128xi32, #tpu.memory_space<vmem>>
        %dma_wait3A_55 = tpu.memref_squeeze %dma_wait3A_54 : memref<1x128xi32, #tpu.memory_space<vmem>> -> memref<128xi32, #tpu.memory_space<vmem>>
        %dma_wait3A_56 = arith.constant 0 : i32
        %dma_wait3A_57 = arith.constant 0 : i32
        %dma_wait3A_58 = tpu.memref_slice %arg11[%dma_wait3A_56, %dma_wait3A_57] : memref<10112x64xf32, #tpu.memory_space<vmem_shared>> -> memref<10112x64xf32, #tpu.memory_space<vmem_shared>>
        tpu.wait_indirect_dma semaphore(%run_scoped3A_46 : memref<!tpu.dma_semaphore, #tpu.memory_space<semaphore_mem>>) src(%arg9 : memref<128x64xf32, #tpu.memory_space<vmem>>) dst(%dma_wait3A_58 : memref<10112x64xf32, #tpu.memory_space<vmem_shared>>)
        tpu.yield
      }) : () -> ()
    }
    %scan3A_4 = arith.constant 2 : i32
    %barrier3A_5 = arith.constant 0 : index
    tpu.barrier barrier_id(%barrier3A_5)
    "tpu.region"() ({
      %run_scoped3A = tpu.sem_alloc : memref<!tpu.dma_semaphore, #tpu.memory_space<semaphore_mem>>
      %dma_start3A = arith.constant 0 : i32
      %dma_start3A_6 = tpu.memref_slice %arg5[%arg0, %mul3A_0, %dma_start3A] : memref<2x10112x64xf32, #tpu.memory_space<hbm>> -> memref<1x632x64xf32, #tpu.memory_space<hbm>>
      %dma_start3A_7 = tpu.memref_squeeze %dma_start3A_6 : memref<1x632x64xf32, #tpu.memory_space<hbm>> -> memref<632x64xf32, #tpu.memory_space<hbm>>
      %dma_start3A_8 = arith.constant 0 : i32
      %dma_start3A_9 = tpu.memref_slice %arg11[%mul3A_0, %dma_start3A_8] : memref<10112x64xf32, #tpu.memory_space<vmem_shared>> -> memref<632x64xf32, #tpu.memory_space<vmem_shared>>
      tpu.enqueue_dma source(%dma_start3A_9 : memref<632x64xf32, #tpu.memory_space<vmem_shared>>) target(%dma_start3A_7 : memref<632x64xf32, #tpu.memory_space<hbm>>) target_semaphore(%run_scoped3A : memref<!tpu.dma_semaphore, #tpu.memory_space<semaphore_mem>>)
      %dma_wait3A = arith.constant 0 : i32
      %dma_wait3A_10 = tpu.memref_slice %arg5[%arg0, %mul3A_0, %dma_wait3A] : memref<2x10112x64xf32, #tpu.memory_space<hbm>> -> memref<1x632x64xf32, #tpu.memory_space<hbm>>
      %dma_wait3A_11 = tpu.memref_squeeze %dma_wait3A_10 : memref<1x632x64xf32, #tpu.memory_space<hbm>> -> memref<632x64xf32, #tpu.memory_space<hbm>>
      %dma_wait3A_12 = arith.constant 0 : i32
      %dma_wait3A_13 = tpu.memref_slice %arg11[%mul3A_0, %dma_wait3A_12] : memref<10112x64xf32, #tpu.memory_space<vmem_shared>> -> memref<632x64xf32, #tpu.memory_space<vmem_shared>>
      tpu.wait_dma2 semaphore(%run_scoped3A : memref<!tpu.dma_semaphore, #tpu.memory_space<semaphore_mem>>) src(%dma_wait3A_13 : memref<632x64xf32, #tpu.memory_space<vmem_shared>>) dst(%dma_wait3A_11 : memref<632x64xf32, #tpu.memory_space<hbm>>)
      tpu.yield
    }) : () -> ()
    return
  }
}

#map = affine_map<(d0, d1) -> (0, 0, 0)>
#map1 = affine_map<(d0, d1) -> (0, 0)>
module attributes {stable_mosaic.version = 14 : i64} {
  func.func @deg_kernel(%arg0: i32, %arg1: i32, %arg2: memref<32x80x128xi32, #tpu.memory_space<hbm>>, %arg3: memref<128x16xf32, #tpu.memory_space<hbm>>, %arg4: memref<632x16xf32, #tpu.memory_space<hbm>>, %arg5: memref<2x10112x16xf32, #tpu.memory_space<hbm>>, %arg6: memref<80x128xi32, #tpu.memory_space<vmem>>, %arg7: memref<128x16xf32, #tpu.memory_space<vmem>>, %arg8: memref<10112x16xf32, #tpu.memory_space<vmem_shared>>, %arg9: memref<!tpu.dma_semaphore, #tpu.memory_space<semaphore_mem>>, %arg10: memref<!tpu.dma_semaphore, #tpu.memory_space<semaphore_mem>>) attributes {dimension_semantics = [#tpu.dimension_semantics<core_parallel>, #tpu.dimension_semantics<subcore_parallel>], iteration_bounds = array<i64: 2, 16>, scalar_prefetch = 0 : i64, scratch_operands = 5 : i64, tpu.core_type = #tpu.core_type<sc_vector_subcore>, window_params = [{transform_indices = #map}, {transform_indices = #map1}, {transform_indices = #map1}, {transform_indices = #map}]} {
    %mul3A = arith.constant 16 : i32
    %mul3A_0 = arith.muli %arg0, %mul3A : i32
    %add3A = arith.addi %mul3A_0, %arg1 : i32
    "tpu.region"() ({
      %run_scoped3A = tpu.sem_alloc : memref<!tpu.dma_semaphore, #tpu.memory_space<semaphore_mem>>
      %dma_start3A_38 = arith.constant 0 : i32
      %dma_start3A_39 = arith.constant 0 : i32
      %dma_start3A_40 = tpu.memref_slice %arg2[%add3A, %dma_start3A_38, %dma_start3A_39] : memref<32x80x128xi32, #tpu.memory_space<hbm>> -> memref<1x80x128xi32, #tpu.memory_space<hbm>>
      %dma_start3A_41 = tpu.memref_squeeze %dma_start3A_40 : memref<1x80x128xi32, #tpu.memory_space<hbm>> -> memref<80x128xi32, #tpu.memory_space<hbm>>
      %dma_start3A_42 = arith.constant 0 : i32
      %dma_start3A_43 = arith.constant 0 : i32
      %dma_start3A_44 = tpu.memref_slice %arg2[%add3A, %dma_start3A_42, %dma_start3A_43] : memref<32x80x128xi32, #tpu.memory_space<hbm>> -> memref<1x80x128xi32, #tpu.memory_space<hbm>>
      %dma_start3A_45 = tpu.memref_squeeze %dma_start3A_44 : memref<1x80x128xi32, #tpu.memory_space<hbm>> -> memref<80x128xi32, #tpu.memory_space<hbm>>
      tpu.enqueue_dma source(%dma_start3A_45 : memref<80x128xi32, #tpu.memory_space<hbm>>) target(%arg6 : memref<80x128xi32, #tpu.memory_space<vmem>>) target_semaphore(%run_scoped3A : memref<!tpu.dma_semaphore, #tpu.memory_space<semaphore_mem>>)
      %dma_wait3A_46 = arith.constant 0 : i32
      %dma_wait3A_47 = arith.constant 0 : i32
      %dma_wait3A_48 = tpu.memref_slice %arg2[%add3A, %dma_wait3A_46, %dma_wait3A_47] : memref<32x80x128xi32, #tpu.memory_space<hbm>> -> memref<1x80x128xi32, #tpu.memory_space<hbm>>
      %dma_wait3A_49 = tpu.memref_squeeze %dma_wait3A_48 : memref<1x80x128xi32, #tpu.memory_space<hbm>> -> memref<80x128xi32, #tpu.memory_space<hbm>>
      %dma_wait3A_50 = arith.constant 0 : i32
      %dma_wait3A_51 = arith.constant 0 : i32
      %dma_wait3A_52 = tpu.memref_slice %arg2[%add3A, %dma_wait3A_50, %dma_wait3A_51] : memref<32x80x128xi32, #tpu.memory_space<hbm>> -> memref<1x80x128xi32, #tpu.memory_space<hbm>>
      %dma_wait3A_53 = tpu.memref_squeeze %dma_wait3A_52 : memref<1x80x128xi32, #tpu.memory_space<hbm>> -> memref<80x128xi32, #tpu.memory_space<hbm>>
      tpu.wait_dma2 semaphore(%run_scoped3A : memref<!tpu.dma_semaphore, #tpu.memory_space<semaphore_mem>>) src(%dma_wait3A_53 : memref<80x128xi32, #tpu.memory_space<hbm>>) dst(%arg6 : memref<80x128xi32, #tpu.memory_space<vmem>>)
      tpu.yield
    }) : () -> ()
    "tpu.region"() ({
      %run_scoped3A = tpu.sem_alloc : memref<!tpu.dma_semaphore, #tpu.memory_space<semaphore_mem>>
      tpu.enqueue_dma source(%arg3 : memref<128x16xf32, #tpu.memory_space<hbm>>) target(%arg7 : memref<128x16xf32, #tpu.memory_space<vmem>>) target_semaphore(%run_scoped3A : memref<!tpu.dma_semaphore, #tpu.memory_space<semaphore_mem>>)
      tpu.wait_dma2 semaphore(%run_scoped3A : memref<!tpu.dma_semaphore, #tpu.memory_space<semaphore_mem>>) src(%arg3 : memref<128x16xf32, #tpu.memory_space<hbm>>) dst(%arg7 : memref<128x16xf32, #tpu.memory_space<vmem>>)
      tpu.yield
    }) : () -> ()
    %mul3A_1 = arith.constant 632 : i32
    %mul3A_2 = arith.muli %arg1, %mul3A_1 : i32
    "tpu.region"() ({
      %run_scoped3A = tpu.sem_alloc : memref<!tpu.dma_semaphore, #tpu.memory_space<semaphore_mem>>
      %dma_start3A_38 = arith.constant 0 : i32
      %dma_start3A_39 = tpu.memref_slice %arg8[%mul3A_2, %dma_start3A_38] : memref<10112x16xf32, #tpu.memory_space<vmem_shared>> -> memref<632x16xf32, #tpu.memory_space<vmem_shared>>
      tpu.enqueue_dma source(%arg4 : memref<632x16xf32, #tpu.memory_space<hbm>>) target(%dma_start3A_39 : memref<632x16xf32, #tpu.memory_space<vmem_shared>>) target_semaphore(%run_scoped3A : memref<!tpu.dma_semaphore, #tpu.memory_space<semaphore_mem>>)
      %dma_wait3A_40 = arith.constant 0 : i32
      %dma_wait3A_41 = tpu.memref_slice %arg8[%mul3A_2, %dma_wait3A_40] : memref<10112x16xf32, #tpu.memory_space<vmem_shared>> -> memref<632x16xf32, #tpu.memory_space<vmem_shared>>
      tpu.wait_dma2 semaphore(%run_scoped3A : memref<!tpu.dma_semaphore, #tpu.memory_space<semaphore_mem>>) src(%arg4 : memref<632x16xf32, #tpu.memory_space<hbm>>) dst(%dma_wait3A_41 : memref<632x16xf32, #tpu.memory_space<vmem_shared>>)
      tpu.yield
    }) : () -> ()
    %barrier3A = arith.constant 0 : index
    tpu.barrier barrier_id(%barrier3A)
    %dma_start3A = arith.constant 0 : i32
    %dma_start3A_3 = arith.constant 0 : i32
    %dma_start3A_4 = tpu.memref_slice %arg6[%dma_start3A, %dma_start3A_3] : memref<80x128xi32, #tpu.memory_space<vmem>> -> memref<1x128xi32, #tpu.memory_space<vmem>>
    %dma_start3A_5 = tpu.memref_squeeze %dma_start3A_4 : memref<1x128xi32, #tpu.memory_space<vmem>> -> memref<128xi32, #tpu.memory_space<vmem>>
    %dma_start3A_6 = arith.constant 0 : i32
    %dma_start3A_7 = arith.constant 0 : i32
    %dma_start3A_8 = tpu.memref_slice %arg8[%dma_start3A_6, %dma_start3A_7] : memref<10112x16xf32, #tpu.memory_space<vmem_shared>> -> memref<10112x16xf32, #tpu.memory_space<vmem_shared>>
    tpu.enqueue_indirect_dma source(%arg7 : memref<128x16xf32, #tpu.memory_space<vmem>>) target(%dma_start3A_8 : memref<10112x16xf32, #tpu.memory_space<vmem_shared>>) offsets(%dma_start3A_5 : memref<128xi32, #tpu.memory_space<vmem>>) semaphore(%arg9 : memref<!tpu.dma_semaphore, #tpu.memory_space<semaphore_mem>>) {add = true}
    %dma_start3A_9 = arith.constant 1 : i32
    %dma_start3A_10 = arith.constant 0 : i32
    %dma_start3A_11 = tpu.memref_slice %arg6[%dma_start3A_9, %dma_start3A_10] : memref<80x128xi32, #tpu.memory_space<vmem>> -> memref<1x128xi32, #tpu.memory_space<vmem>>
    %dma_start3A_12 = tpu.memref_squeeze %dma_start3A_11 : memref<1x128xi32, #tpu.memory_space<vmem>> -> memref<128xi32, #tpu.memory_space<vmem>>
    %dma_start3A_13 = arith.constant 0 : i32
    %dma_start3A_14 = arith.constant 0 : i32
    %dma_start3A_15 = tpu.memref_slice %arg8[%dma_start3A_13, %dma_start3A_14] : memref<10112x16xf32, #tpu.memory_space<vmem_shared>> -> memref<10112x16xf32, #tpu.memory_space<vmem_shared>>
    tpu.enqueue_indirect_dma source(%arg7 : memref<128x16xf32, #tpu.memory_space<vmem>>) target(%dma_start3A_15 : memref<10112x16xf32, #tpu.memory_space<vmem_shared>>) offsets(%dma_start3A_12 : memref<128xi32, #tpu.memory_space<vmem>>) semaphore(%arg10 : memref<!tpu.dma_semaphore, #tpu.memory_space<semaphore_mem>>) {add = true}
    %scan3A = arith.constant 0 : i32
    %scan3A_16 = arith.constant 39 : i32
    %scan3A_17 = arith.addi %scan3A, %scan3A_16 : i32
    %scan3A_18 = arith.constant 1 : i32
    scf.for %scan3A_38 = %scan3A to %scan3A_17 step %scan3A_18  : i32 {
      %mul3A_39 = arith.constant 2 : i32
      %mul3A_40 = arith.muli %scan3A_38, %mul3A_39 : i32
      %add3A_41 = arith.constant 2 : i32
      %add3A_42 = arith.addi %add3A_41, %mul3A_40 : i32
      %sub3A = arith.constant 2 : i32
      %sub3A_43 = arith.subi %add3A_42, %sub3A : i32
      %add3A_44 = arith.constant 0 : i32
      %add3A_45 = arith.addi %sub3A_43, %add3A_44 : i32
      %dma_wait3A_46 = arith.constant 0 : i32
      %dma_wait3A_47 = tpu.memref_slice %arg6[%add3A_45, %dma_wait3A_46] : memref<80x128xi32, #tpu.memory_space<vmem>> -> memref<1x128xi32, #tpu.memory_space<vmem>>
      %dma_wait3A_48 = tpu.memref_squeeze %dma_wait3A_47 : memref<1x128xi32, #tpu.memory_space<vmem>> -> memref<128xi32, #tpu.memory_space<vmem>>
      %dma_wait3A_49 = arith.constant 0 : i32
      %dma_wait3A_50 = arith.constant 0 : i32
      %dma_wait3A_51 = tpu.memref_slice %arg8[%dma_wait3A_49, %dma_wait3A_50] : memref<10112x16xf32, #tpu.memory_space<vmem_shared>> -> memref<10112x16xf32, #tpu.memory_space<vmem_shared>>
      tpu.wait_indirect_dma semaphore(%arg9 : memref<!tpu.dma_semaphore, #tpu.memory_space<semaphore_mem>>) src(%arg7 : memref<128x16xf32, #tpu.memory_space<vmem>>) dst(%dma_wait3A_51 : memref<10112x16xf32, #tpu.memory_space<vmem_shared>>)
      %add3A_52 = arith.constant 0 : i32
      %add3A_53 = arith.addi %add3A_42, %add3A_52 : i32
      %dma_start3A_54 = arith.constant 0 : i32
      %dma_start3A_55 = tpu.memref_slice %arg6[%add3A_53, %dma_start3A_54] : memref<80x128xi32, #tpu.memory_space<vmem>> -> memref<1x128xi32, #tpu.memory_space<vmem>>
      %dma_start3A_56 = tpu.memref_squeeze %dma_start3A_55 : memref<1x128xi32, #tpu.memory_space<vmem>> -> memref<128xi32, #tpu.memory_space<vmem>>
      %dma_start3A_57 = arith.constant 0 : i32
      %dma_start3A_58 = arith.constant 0 : i32
      %dma_start3A_59 = tpu.memref_slice %arg8[%dma_start3A_57, %dma_start3A_58] : memref<10112x16xf32, #tpu.memory_space<vmem_shared>> -> memref<10112x16xf32, #tpu.memory_space<vmem_shared>>
      tpu.enqueue_indirect_dma source(%arg7 : memref<128x16xf32, #tpu.memory_space<vmem>>) target(%dma_start3A_59 : memref<10112x16xf32, #tpu.memory_space<vmem_shared>>) offsets(%dma_start3A_56 : memref<128xi32, #tpu.memory_space<vmem>>) semaphore(%arg9 : memref<!tpu.dma_semaphore, #tpu.memory_space<semaphore_mem>>) {add = true}
      %sub3A_60 = arith.constant 2 : i32
      %sub3A_61 = arith.subi %add3A_42, %sub3A_60 : i32
      %add3A_62 = arith.constant 1 : i32
      %add3A_63 = arith.addi %sub3A_61, %add3A_62 : i32
      %dma_wait3A_64 = arith.constant 0 : i32
      %dma_wait3A_65 = tpu.memref_slice %arg6[%add3A_63, %dma_wait3A_64] : memref<80x128xi32, #tpu.memory_space<vmem>> -> memref<1x128xi32, #tpu.memory_space<vmem>>
      %dma_wait3A_66 = tpu.memref_squeeze %dma_wait3A_65 : memref<1x128xi32, #tpu.memory_space<vmem>> -> memref<128xi32, #tpu.memory_space<vmem>>
      %dma_wait3A_67 = arith.constant 0 : i32
      %dma_wait3A_68 = arith.constant 0 : i32
      %dma_wait3A_69 = tpu.memref_slice %arg8[%dma_wait3A_67, %dma_wait3A_68] : memref<10112x16xf32, #tpu.memory_space<vmem_shared>> -> memref<10112x16xf32, #tpu.memory_space<vmem_shared>>
      tpu.wait_indirect_dma semaphore(%arg10 : memref<!tpu.dma_semaphore, #tpu.memory_space<semaphore_mem>>) src(%arg7 : memref<128x16xf32, #tpu.memory_space<vmem>>) dst(%dma_wait3A_69 : memref<10112x16xf32, #tpu.memory_space<vmem_shared>>)
      %add3A_70 = arith.constant 1 : i32
      %add3A_71 = arith.addi %add3A_42, %add3A_70 : i32
      %dma_start3A_72 = arith.constant 0 : i32
      %dma_start3A_73 = tpu.memref_slice %arg6[%add3A_71, %dma_start3A_72] : memref<80x128xi32, #tpu.memory_space<vmem>> -> memref<1x128xi32, #tpu.memory_space<vmem>>
      %dma_start3A_74 = tpu.memref_squeeze %dma_start3A_73 : memref<1x128xi32, #tpu.memory_space<vmem>> -> memref<128xi32, #tpu.memory_space<vmem>>
      %dma_start3A_75 = arith.constant 0 : i32
      %dma_start3A_76 = arith.constant 0 : i32
      %dma_start3A_77 = tpu.memref_slice %arg8[%dma_start3A_75, %dma_start3A_76] : memref<10112x16xf32, #tpu.memory_space<vmem_shared>> -> memref<10112x16xf32, #tpu.memory_space<vmem_shared>>
      tpu.enqueue_indirect_dma source(%arg7 : memref<128x16xf32, #tpu.memory_space<vmem>>) target(%dma_start3A_77 : memref<10112x16xf32, #tpu.memory_space<vmem_shared>>) offsets(%dma_start3A_74 : memref<128xi32, #tpu.memory_space<vmem>>) semaphore(%arg10 : memref<!tpu.dma_semaphore, #tpu.memory_space<semaphore_mem>>) {add = true}
    }
    %scan3A_19 = arith.constant 39 : i32
    %dma_wait3A = arith.constant 78 : i32
    %dma_wait3A_20 = arith.constant 0 : i32
    %dma_wait3A_21 = tpu.memref_slice %arg6[%dma_wait3A, %dma_wait3A_20] : memref<80x128xi32, #tpu.memory_space<vmem>> -> memref<1x128xi32, #tpu.memory_space<vmem>>
    %dma_wait3A_22 = tpu.memref_squeeze %dma_wait3A_21 : memref<1x128xi32, #tpu.memory_space<vmem>> -> memref<128xi32, #tpu.memory_space<vmem>>
    %dma_wait3A_23 = arith.constant 0 : i32
    %dma_wait3A_24 = arith.constant 0 : i32
    %dma_wait3A_25 = tpu.memref_slice %arg8[%dma_wait3A_23, %dma_wait3A_24] : memref<10112x16xf32, #tpu.memory_space<vmem_shared>> -> memref<10112x16xf32, #tpu.memory_space<vmem_shared>>
    tpu.wait_indirect_dma semaphore(%arg9 : memref<!tpu.dma_semaphore, #tpu.memory_space<semaphore_mem>>) src(%arg7 : memref<128x16xf32, #tpu.memory_space<vmem>>) dst(%dma_wait3A_25 : memref<10112x16xf32, #tpu.memory_space<vmem_shared>>)
    %dma_wait3A_26 = arith.constant 79 : i32
    %dma_wait3A_27 = arith.constant 0 : i32
    %dma_wait3A_28 = tpu.memref_slice %arg6[%dma_wait3A_26, %dma_wait3A_27] : memref<80x128xi32, #tpu.memory_space<vmem>> -> memref<1x128xi32, #tpu.memory_space<vmem>>
    %dma_wait3A_29 = tpu.memref_squeeze %dma_wait3A_28 : memref<1x128xi32, #tpu.memory_space<vmem>> -> memref<128xi32, #tpu.memory_space<vmem>>
    %dma_wait3A_30 = arith.constant 0 : i32
    %dma_wait3A_31 = arith.constant 0 : i32
    %dma_wait3A_32 = tpu.memref_slice %arg8[%dma_wait3A_30, %dma_wait3A_31] : memref<10112x16xf32, #tpu.memory_space<vmem_shared>> -> memref<10112x16xf32, #tpu.memory_space<vmem_shared>>
    tpu.wait_indirect_dma semaphore(%arg10 : memref<!tpu.dma_semaphore, #tpu.memory_space<semaphore_mem>>) src(%arg7 : memref<128x16xf32, #tpu.memory_space<vmem>>) dst(%dma_wait3A_32 : memref<10112x16xf32, #tpu.memory_space<vmem_shared>>)
    %barrier3A_33 = arith.constant 0 : index
    tpu.barrier barrier_id(%barrier3A_33)
    %mul3A_34 = arith.constant 632 : i32
    %mul3A_35 = arith.muli %arg1, %mul3A_34 : i32
    %mul3A_36 = arith.constant 632 : i32
    %mul3A_37 = arith.muli %arg1, %mul3A_36 : i32
    "tpu.region"() ({
      %run_scoped3A = tpu.sem_alloc : memref<!tpu.dma_semaphore, #tpu.memory_space<semaphore_mem>>
      %dma_start3A_38 = arith.constant 0 : i32
      %dma_start3A_39 = tpu.memref_slice %arg5[%arg0, %mul3A_37, %dma_start3A_38] : memref<2x10112x16xf32, #tpu.memory_space<hbm>> -> memref<1x632x16xf32, #tpu.memory_space<hbm>>
      %dma_start3A_40 = tpu.memref_squeeze %dma_start3A_39 : memref<1x632x16xf32, #tpu.memory_space<hbm>> -> memref<632x16xf32, #tpu.memory_space<hbm>>
      %dma_start3A_41 = arith.constant 0 : i32
      %dma_start3A_42 = tpu.memref_slice %arg8[%mul3A_35, %dma_start3A_41] : memref<10112x16xf32, #tpu.memory_space<vmem_shared>> -> memref<632x16xf32, #tpu.memory_space<vmem_shared>>
      tpu.enqueue_dma source(%dma_start3A_42 : memref<632x16xf32, #tpu.memory_space<vmem_shared>>) target(%dma_start3A_40 : memref<632x16xf32, #tpu.memory_space<hbm>>) target_semaphore(%run_scoped3A : memref<!tpu.dma_semaphore, #tpu.memory_space<semaphore_mem>>)
      %dma_wait3A_43 = arith.constant 0 : i32
      %dma_wait3A_44 = tpu.memref_slice %arg5[%arg0, %mul3A_37, %dma_wait3A_43] : memref<2x10112x16xf32, #tpu.memory_space<hbm>> -> memref<1x632x16xf32, #tpu.memory_space<hbm>>
      %dma_wait3A_45 = tpu.memref_squeeze %dma_wait3A_44 : memref<1x632x16xf32, #tpu.memory_space<hbm>> -> memref<632x16xf32, #tpu.memory_space<hbm>>
      %dma_wait3A_46 = arith.constant 0 : i32
      %dma_wait3A_47 = tpu.memref_slice %arg8[%mul3A_35, %dma_wait3A_46] : memref<10112x16xf32, #tpu.memory_space<vmem_shared>> -> memref<632x16xf32, #tpu.memory_space<vmem_shared>>
      tpu.wait_dma2 semaphore(%run_scoped3A : memref<!tpu.dma_semaphore, #tpu.memory_space<semaphore_mem>>) src(%dma_wait3A_47 : memref<632x16xf32, #tpu.memory_space<vmem_shared>>) dst(%dma_wait3A_45 : memref<632x16xf32, #tpu.memory_space<hbm>>)
      tpu.yield
    }) : () -> ()
    return
  }
}

module attributes {stable_mosaic.version = 14 : i64} {
  func.func @_tcmm_body(%arg0: i32, %arg1: memref<2528x128xf32, #tpu.memory_space<vmem>>, %arg2: memref<128x128xf32, #tpu.memory_space<vmem>>, %arg3: memref<2528x128xf32, #tpu.memory_space<vmem>>) attributes {dimension_semantics = [#tpu.dimension_semantics<arbitrary>], iteration_bounds = array<i64: 4>, scalar_prefetch = 0 : i64, scratch_operands = 0 : i64, tpu.core_type = #tpu.core_type<tc>, window_params = [{transform_indices = @transform_0, window_bounds = array<i64: 2528, 128>}, {pipeline_mode = #tpu.pipeline_mode<synchronous>, transform_indices = @transform_1, window_bounds = array<i64: 128, 128>}, {transform_indices = @transform_2, window_bounds = array<i64: 2528, 128>}]} {
    %get3A = arith.constant 0 : index
    %get3A_0 = arith.constant 0 : index
    %get3A_1 = vector.load %arg1[%get3A, %get3A_0] : memref<2528x128xf32, #tpu.memory_space<vmem>>, vector<2528x128xf32>
    %get3A_2 = arith.constant 0 : index
    %get3A_3 = arith.constant 0 : index
    %get3A_4 = vector.load %arg2[%get3A_2, %get3A_3] : memref<128x128xf32, #tpu.memory_space<vmem>>, vector<128x128xf32>
    %dot_general3A = arith.constant dense<0.000000e+00> : vector<2528x128xf32>
    %dot_general3A_5 = tpu.matmul %get3A_1, %get3A_4, %dot_general3A {dimension_numbers = #tpu.dot_dimension_numbers<[1], [0], [0], [1], [0, 0, 1, 1], [], []>, transpose_lhs_hint = false} : vector<2528x128xf32>, vector<128x128xf32>, vector<2528x128xf32> -> vector<2528x128xf32>
    %swap3A = arith.constant 0 : index
    %swap3A_6 = arith.constant 0 : index
    %swap3A_7 = vector.load %arg3[%swap3A, %swap3A_6] : memref<2528x128xf32, #tpu.memory_space<vmem>>, vector<2528x128xf32>
    tpu.vector_store %arg3[%swap3A, %swap3A_6], %dot_general3A_5 {strides = array<i32>} : memref<2528x128xf32, #tpu.memory_space<vmem>>, vector<2528x128xf32>,
    return
  }
  func.func @transform_0(%arg0: i32) -> (i32, i32) {
    %c0_i32 = arith.constant 0 : i32
    %c0_i32_0 = arith.constant 0 : i32
    return %arg0, %c0_i32 : i32, i32
  }
  func.func @transform_1(%arg0: i32) -> (i32, i32) {
    %c0_i32 = arith.constant 0 : i32
    %c0_i32_0 = arith.constant 0 : i32
    %c0_i32_1 = arith.constant 0 : i32
    return %c0_i32, %c0_i32_0 : i32, i32
  }
  func.func @transform_2(%arg0: i32) -> (i32, i32) {
    %c0_i32 = arith.constant 0 : i32
    %c0_i32_0 = arith.constant 0 : i32
    return %arg0, %c0_i32 : i32, i32
  }
}

module attributes {stable_mosaic.version = 14 : i64} {
  func.func @_tc1_body(%arg0: i32, %arg1: memref<2528x128xf32, #tpu.memory_space<vmem>>, %arg2: memref<2x2528x16xf32, #tpu.memory_space<vmem>>, %arg3: memref<2x2528x64xf32, #tpu.memory_space<vmem>>) attributes {dimension_semantics = [#tpu.dimension_semantics<arbitrary>], iteration_bounds = array<i64: 4>, scalar_prefetch = 0 : i64, scratch_operands = 0 : i64, tpu.core_type = #tpu.core_type<tc>, window_params = [{transform_indices = @transform_0, window_bounds = array<i64: 2528, 128>}, {transform_indices = @transform_1, window_bounds = array<i64: 2, 2528, 16>}, {transform_indices = @transform_2, window_bounds = array<i64: 2, 2528, 64>}]} {
    %get3A = arith.constant 0 : index
    %get3A_0 = arith.constant 0 : index
    %get3A_1 = arith.constant 0 : index
    %get3A_2 = vector.load %arg2[%get3A, %get3A_0, %get3A_1] : memref<2x2528x16xf32, #tpu.memory_space<vmem>>, vector<1x2528x1xf32>
    %get3A_3 = vector.shape_cast %get3A_2 : vector<1x2528x1xf32> to vector<2528xf32>
    %get3A_4 = arith.constant 1 : index
    %get3A_5 = arith.constant 0 : index
    %get3A_6 = arith.constant 0 : index
    %get3A_7 = vector.load %arg2[%get3A_4, %get3A_5, %get3A_6] : memref<2x2528x16xf32, #tpu.memory_space<vmem>>, vector<1x2528x1xf32>
    %get3A_8 = vector.shape_cast %get3A_7 : vector<1x2528x1xf32> to vector<2528xf32>
    %add3A = arith.addf %get3A_3, %get3A_8 : vector<2528xf32>
    %rsqrt3A = math.rsqrt %add3A : vector<2528xf32>
    %broadcast_in_dim3A = vector.shape_cast %rsqrt3A : vector<2528xf32> to vector<2528x1xf32>
    %get3A_9 = arith.constant 0 : index
    %get3A_10 = arith.constant 0 : index
    %get3A_11 = vector.load %arg1[%get3A_9, %get3A_10] : memref<2528x128xf32, #tpu.memory_space<vmem>>, vector<2528x128xf32>
    %mul3A = vector.broadcast %broadcast_in_dim3A : vector<2528x1xf32> to vector<2528x128xf32>
    %mul3A_12 = arith.mulf %mul3A, %get3A_11 : vector<2528x128xf32>
    %slice3A = vector.extract_strided_slice %mul3A_12 {offsets = [0, 0], sizes = [2528, 64], strides = [1, 1]} : vector<2528x128xf32> to vector<2528x64xf32>
    %swap3A = arith.constant 0 : index
    %swap3A_13 = arith.constant 0 : index
    %swap3A_14 = arith.constant 0 : index
    %swap3A_15 = vector.load %arg3[%swap3A, %swap3A_13, %swap3A_14] : memref<2x2528x64xf32, #tpu.memory_space<vmem>>, vector<1x2528x64xf32>
    %swap3A_16 = vector.shape_cast %swap3A_15 : vector<1x2528x64xf32> to vector<2528x64xf32>
    %swap3A_17 = vector.shape_cast %slice3A : vector<2528x64xf32> to vector<1x2528x64xf32>
    tpu.vector_store %arg3[%swap3A, %swap3A_13, %swap3A_14], %swap3A_17 {strides = array<i32>} : memref<2x2528x64xf32, #tpu.memory_space<vmem>>, vector<1x2528x64xf32>,
    %slice3A_18 = vector.extract_strided_slice %mul3A_12 {offsets = [0, 64], sizes = [2528, 64], strides = [1, 1]} : vector<2528x128xf32> to vector<2528x64xf32>
    %swap3A_19 = arith.constant 1 : index
    %swap3A_20 = arith.constant 0 : index
    %swap3A_21 = arith.constant 0 : index
    %swap3A_22 = vector.load %arg3[%swap3A_19, %swap3A_20, %swap3A_21] : memref<2x2528x64xf32, #tpu.memory_space<vmem>>, vector<1x2528x64xf32>
    %swap3A_23 = vector.shape_cast %swap3A_22 : vector<1x2528x64xf32> to vector<2528x64xf32>
    %swap3A_24 = vector.shape_cast %slice3A_18 : vector<2528x64xf32> to vector<1x2528x64xf32>
    tpu.vector_store %arg3[%swap3A_19, %swap3A_20, %swap3A_21], %swap3A_24 {strides = array<i32>} : memref<2x2528x64xf32, #tpu.memory_space<vmem>>, vector<1x2528x64xf32>,
    return
  }
  func.func @transform_0(%arg0: i32) -> (i32, i32) {
    %c0_i32 = arith.constant 0 : i32
    %c0_i32_0 = arith.constant 0 : i32
    return %arg0, %c0_i32 : i32, i32
  }
  func.func @transform_1(%arg0: i32) -> (i32, i32, i32) {
    %c0_i32 = arith.constant 0 : i32
    %c0_i32_0 = arith.constant 0 : i32
    %c0_i32_1 = arith.constant 0 : i32
    return %c0_i32, %arg0, %c0_i32_0 : i32, i32, i32
  }
  func.func @transform_2(%arg0: i32) -> (i32, i32, i32) {
    %c0_i32 = arith.constant 0 : i32
    %c0_i32_0 = arith.constant 0 : i32
    %c0_i32_1 = arith.constant 0 : i32
    return %c0_i32, %arg0, %c0_i32_0 : i32, i32, i32
  }
}

module attributes {stable_mosaic.version = 14 : i64} {
  func.func @_tc2_body(%arg0: i32, %arg1: memref<2x2528x64xf32, #tpu.memory_space<vmem>>, %arg2: memref<2x2528x16xf32, #tpu.memory_space<vmem>>, %arg3: memref<1x128xf32, #tpu.memory_space<vmem>>, %arg4: memref<128x32xf32, #tpu.memory_space<vmem>>, %arg5: memref<2x2528x16xf32, #tpu.memory_space<vmem>>) attributes {dimension_semantics = [#tpu.dimension_semantics<arbitrary>], iteration_bounds = array<i64: 4>, scalar_prefetch = 0 : i64, scratch_operands = 0 : i64, tpu.core_type = #tpu.core_type<tc>, window_params = [{transform_indices = @transform_0, window_bounds = array<i64: 2, 2528, 64>}, {transform_indices = @transform_1, window_bounds = array<i64: 2, 2528, 16>}, {pipeline_mode = #tpu.pipeline_mode<synchronous>, transform_indices = @transform_2, window_bounds = array<i64: 1, 128>}, {pipeline_mode = #tpu.pipeline_mode<synchronous>, transform_indices = @transform_3, window_bounds = array<i64: 128, 32>}, {transform_indices = @transform_4, window_bounds = array<i64: 2, 2528, 16>}]} {
    %get3A = arith.constant 0 : index
    %get3A_0 = arith.constant 0 : index
    %get3A_1 = arith.constant 0 : index
    %get3A_2 = vector.load %arg2[%get3A, %get3A_0, %get3A_1] : memref<2x2528x16xf32, #tpu.memory_space<vmem>>, vector<1x2528x1xf32>
    %get3A_3 = vector.shape_cast %get3A_2 : vector<1x2528x1xf32> to vector<2528xf32>
    %get3A_4 = arith.constant 1 : index
    %get3A_5 = arith.constant 0 : index
    %get3A_6 = arith.constant 0 : index
    %get3A_7 = vector.load %arg2[%get3A_4, %get3A_5, %get3A_6] : memref<2x2528x16xf32, #tpu.memory_space<vmem>>, vector<1x2528x1xf32>
    %get3A_8 = vector.shape_cast %get3A_7 : vector<1x2528x1xf32> to vector<2528xf32>
    %add3A = arith.addf %get3A_3, %get3A_8 : vector<2528xf32>
    %rsqrt3A = math.rsqrt %add3A : vector<2528xf32>
    %broadcast_in_dim3A = vector.shape_cast %rsqrt3A : vector<2528xf32> to vector<2528x1xf32>
    %get3A_9 = arith.constant 0 : index
    %get3A_10 = arith.constant 0 : index
    %get3A_11 = arith.constant 0 : index
    %get3A_12 = vector.load %arg1[%get3A_9, %get3A_10, %get3A_11] : memref<2x2528x64xf32, #tpu.memory_space<vmem>>, vector<1x2528x64xf32>
    %get3A_13 = vector.shape_cast %get3A_12 : vector<1x2528x64xf32> to vector<2528x64xf32>
    %get3A_14 = arith.constant 1 : index
    %get3A_15 = arith.constant 0 : index
    %get3A_16 = arith.constant 0 : index
    %get3A_17 = vector.load %arg1[%get3A_14, %get3A_15, %get3A_16] : memref<2x2528x64xf32, #tpu.memory_space<vmem>>, vector<1x2528x64xf32>
    %get3A_18 = vector.shape_cast %get3A_17 : vector<1x2528x64xf32> to vector<2528x64xf32>
    %concatenate3A = tpu.concatenate %get3A_13, %get3A_18 in 1 : vector<2528x64xf32>, vector<2528x64xf32> -> vector<2528x128xf32>
    %mul3A = vector.broadcast %broadcast_in_dim3A : vector<2528x1xf32> to vector<2528x128xf32>
    %mul3A_19 = arith.mulf %mul3A, %concatenate3A : vector<2528x128xf32>
    %get3A_20 = arith.constant 0 : index
    %get3A_21 = arith.constant 0 : index
    %get3A_22 = vector.load %arg3[%get3A_20, %get3A_21] : memref<1x128xf32, #tpu.memory_space<vmem>>, vector<1x128xf32>
    %add3A_23 = vector.broadcast %get3A_22 : vector<1x128xf32> to vector<2528x128xf32>
    %add3A_24 = arith.addf %mul3A_19, %add3A_23 : vector<2528x128xf32>
    %max3A = arith.constant 0.000000e+00 : f32
    %max3A_25 = vector.broadcast %max3A : f32 to vector<2528x128xf32>
    %max3A_26 = arith.maximumf %add3A_24, %max3A_25 : vector<2528x128xf32>
    %get3A_27 = arith.constant 0 : index
    %get3A_28 = arith.constant 0 : index
    %get3A_29 = vector.load %arg4[%get3A_27, %get3A_28] : memref<128x32xf32, #tpu.memory_space<vmem>>, vector<128x32xf32>
    %dot_general3A = arith.constant dense<0.000000e+00> : vector<2528x32xf32>
    %dot_general3A_30 = tpu.matmul %max3A_26, %get3A_29, %dot_general3A {dimension_numbers = #tpu.dot_dimension_numbers<[1], [0], [0], [1], [0, 0, 1, 1], [], []>, transpose_lhs_hint = false} : vector<2528x128xf32>, vector<128x32xf32>, vector<2528x32xf32> -> vector<2528x32xf32>
    %mul3A_31 = vector.broadcast %broadcast_in_dim3A : vector<2528x1xf32> to vector<2528x32xf32>
    %mul3A_32 = arith.mulf %mul3A_31, %dot_general3A_30 : vector<2528x32xf32>
    %slice3A = vector.extract_strided_slice %mul3A_32 {offsets = [0, 0], sizes = [2528, 16], strides = [1, 1]} : vector<2528x32xf32> to vector<2528x16xf32>
    %swap3A = arith.constant 0 : index
    %swap3A_33 = arith.constant 0 : index
    %swap3A_34 = arith.constant 0 : index
    %swap3A_35 = vector.load %arg5[%swap3A, %swap3A_33, %swap3A_34] : memref<2x2528x16xf32, #tpu.memory_space<vmem>>, vector<1x2528x16xf32>
    %swap3A_36 = vector.shape_cast %swap3A_35 : vector<1x2528x16xf32> to vector<2528x16xf32>
    %swap3A_37 = vector.shape_cast %slice3A : vector<2528x16xf32> to vector<1x2528x16xf32>
    tpu.vector_store %arg5[%swap3A, %swap3A_33, %swap3A_34], %swap3A_37 {strides = array<i32>} : memref<2x2528x16xf32, #tpu.memory_space<vmem>>, vector<1x2528x16xf32>,
    %slice3A_38 = vector.extract_strided_slice %mul3A_32 {offsets = [0, 16], sizes = [2528, 16], strides = [1, 1]} : vector<2528x32xf32> to vector<2528x16xf32>
    %swap3A_39 = arith.constant 1 : index
    %swap3A_40 = arith.constant 0 : index
    %swap3A_41 = arith.constant 0 : index
    %swap3A_42 = vector.load %arg5[%swap3A_39, %swap3A_40, %swap3A_41] : memref<2x2528x16xf32, #tpu.memory_space<vmem>>, vector<1x2528x16xf32>
    %swap3A_43 = vector.shape_cast %swap3A_42 : vector<1x2528x16xf32> to vector<2528x16xf32>
    %swap3A_44 = vector.shape_cast %slice3A_38 : vector<2528x16xf32> to vector<1x2528x16xf32>
    tpu.vector_store %arg5[%swap3A_39, %swap3A_40, %swap3A_41], %swap3A_44 {strides = array<i32>} : memref<2x2528x16xf32, #tpu.memory_space<vmem>>, vector<1x2528x16xf32>,
    return
  }
  func.func @transform_0(%arg0: i32) -> (i32, i32, i32) {
    %c0_i32 = arith.constant 0 : i32
    %c0_i32_0 = arith.constant 0 : i32
    %c0_i32_1 = arith.constant 0 : i32
    return %c0_i32, %arg0, %c0_i32_0 : i32, i32, i32
  }
  func.func @transform_1(%arg0: i32) -> (i32, i32, i32) {
    %c0_i32 = arith.constant 0 : i32
    %c0_i32_0 = arith.constant 0 : i32
    %c0_i32_1 = arith.constant 0 : i32
    return %c0_i32, %arg0, %c0_i32_0 : i32, i32, i32
  }
  func.func @transform_2(%arg0: i32) -> (i32, i32) {
    %c0_i32 = arith.constant 0 : i32
    %c0_i32_0 = arith.constant 0 : i32
    %c0_i32_1 = arith.constant 0 : i32
    return %c0_i32, %c0_i32_0 : i32, i32
  }
  func.func @transform_3(%arg0: i32) -> (i32, i32) {
    %c0_i32 = arith.constant 0 : i32
    %c0_i32_0 = arith.constant 0 : i32
    %c0_i32_1 = arith.constant 0 : i32
    return %c0_i32, %c0_i32_0 : i32, i32
  }
  func.func @transform_4(%arg0: i32) -> (i32, i32, i32) {
    %c0_i32 = arith.constant 0 : i32
    %c0_i32_0 = arith.constant 0 : i32
    %c0_i32_1 = arith.constant 0 : i32
    return %c0_i32, %arg0, %c0_i32_0 : i32, i32, i32
  }
}

module attributes {stable_mosaic.version = 14 : i64} {
  func.func @_tc3_body(%arg0: i32, %arg1: memref<2x2528x16xf32, #tpu.memory_space<vmem>>, %arg2: memref<2x2528x16xf32, #tpu.memory_space<vmem>>, %arg3: memref<1x32xf32, #tpu.memory_space<vmem>>, %arg4: memref<2528x32xf32, #tpu.memory_space<vmem>>) attributes {dimension_semantics = [#tpu.dimension_semantics<arbitrary>], iteration_bounds = array<i64: 4>, scalar_prefetch = 0 : i64, scratch_operands = 0 : i64, tpu.core_type = #tpu.core_type<tc>, window_params = [{transform_indices = @transform_0, window_bounds = array<i64: 2, 2528, 16>}, {transform_indices = @transform_1, window_bounds = array<i64: 2, 2528, 16>}, {pipeline_mode = #tpu.pipeline_mode<synchronous>, transform_indices = @transform_2, window_bounds = array<i64: 1, 32>}, {transform_indices = @transform_3, window_bounds = array<i64: 2528, 32>}]} {
    %get3A = arith.constant 0 : index
    %get3A_0 = arith.constant 0 : index
    %get3A_1 = arith.constant 0 : index
    %get3A_2 = vector.load %arg2[%get3A, %get3A_0, %get3A_1] : memref<2x2528x16xf32, #tpu.memory_space<vmem>>, vector<1x2528x1xf32>
    %get3A_3 = vector.shape_cast %get3A_2 : vector<1x2528x1xf32> to vector<2528xf32>
    %get3A_4 = arith.constant 1 : index
    %get3A_5 = arith.constant 0 : index
    %get3A_6 = arith.constant 0 : index
    %get3A_7 = vector.load %arg2[%get3A_4, %get3A_5, %get3A_6] : memref<2x2528x16xf32, #tpu.memory_space<vmem>>, vector<1x2528x1xf32>
    %get3A_8 = vector.shape_cast %get3A_7 : vector<1x2528x1xf32> to vector<2528xf32>
    %add3A = arith.addf %get3A_3, %get3A_8 : vector<2528xf32>
    %rsqrt3A = math.rsqrt %add3A : vector<2528xf32>
    %broadcast_in_dim3A = vector.shape_cast %rsqrt3A : vector<2528xf32> to vector<2528x1xf32>
    %get3A_9 = arith.constant 0 : index
    %get3A_10 = arith.constant 0 : index
    %get3A_11 = arith.constant 0 : index
    %get3A_12 = vector.load %arg1[%get3A_9, %get3A_10, %get3A_11] : memref<2x2528x16xf32, #tpu.memory_space<vmem>>, vector<1x2528x16xf32>
    %get3A_13 = vector.shape_cast %get3A_12 : vector<1x2528x16xf32> to vector<2528x16xf32>
    %get3A_14 = arith.constant 1 : index
    %get3A_15 = arith.constant 0 : index
    %get3A_16 = arith.constant 0 : index
    %get3A_17 = vector.load %arg1[%get3A_14, %get3A_15, %get3A_16] : memref<2x2528x16xf32, #tpu.memory_space<vmem>>, vector<1x2528x16xf32>
    %get3A_18 = vector.shape_cast %get3A_17 : vector<1x2528x16xf32> to vector<2528x16xf32>
    %concatenate3A = tpu.concatenate %get3A_13, %get3A_18 in 1 : vector<2528x16xf32>, vector<2528x16xf32> -> vector<2528x32xf32>
    %mul3A = vector.broadcast %broadcast_in_dim3A : vector<2528x1xf32> to vector<2528x32xf32>
    %mul3A_19 = arith.mulf %mul3A, %concatenate3A : vector<2528x32xf32>
    %get3A_20 = arith.constant 0 : index
    %get3A_21 = arith.constant 0 : index
    %get3A_22 = vector.load %arg3[%get3A_20, %get3A_21] : memref<1x32xf32, #tpu.memory_space<vmem>>, vector<1x32xf32>
    %add3A_23 = vector.broadcast %get3A_22 : vector<1x32xf32> to vector<2528x32xf32>
    %add3A_24 = arith.addf %mul3A_19, %add3A_23 : vector<2528x32xf32>
    %swap3A = arith.constant 0 : index
    %swap3A_25 = arith.constant 0 : index
    %swap3A_26 = vector.load %arg4[%swap3A, %swap3A_25] : memref<2528x32xf32, #tpu.memory_space<vmem>>, vector<2528x32xf32>
    tpu.vector_store %arg4[%swap3A, %swap3A_25], %add3A_24 {strides = array<i32>} : memref<2528x32xf32, #tpu.memory_space<vmem>>, vector<2528x32xf32>,
    return
  }
  func.func @transform_0(%arg0: i32) -> (i32, i32, i32) {
    %c0_i32 = arith.constant 0 : i32
    %c0_i32_0 = arith.constant 0 : i32
    %c0_i32_1 = arith.constant 0 : i32
    return %c0_i32, %arg0, %c0_i32_0 : i32, i32, i32
  }
  func.func @transform_1(%arg0: i32) -> (i32, i32, i32) {
    %c0_i32 = arith.constant 0 : i32
    %c0_i32_0 = arith.constant 0 : i32
    %c0_i32_1 = arith.constant 0 : i32
    return %c0_i32, %arg0, %c0_i32_0 : i32, i32, i32
  }
  func.func @transform_2(%arg0: i32) -> (i32, i32) {
    %c0_i32 = arith.constant 0 : i32
    %c0_i32_0 = arith.constant 0 : i32
    %c0_i32_1 = arith.constant 0 : i32
    return %c0_i32, %c0_i32_0 : i32, i32
  }
  func.func @transform_3(%arg0: i32) -> (i32, i32) {
    %c0_i32 = arith.constant 0 : i32
    %c0_i32_0 = arith.constant 0 : i32
    return %arg0, %c0_i32 : i32, i32
  }
}

</mosaic_0001>

<sc_bundles>
// kernel: kernel.12.cloned.1.call-start
scs
__scs_entry_jumppad:
0x0: {  	(pc) =	sbr.rel $0x88, $3  }
0x1: {  	(tag) =	ssettag $0x0;
	lr =	simm.s32 $0x1  }
0x2: {  	[smem:$0x3F9B] =	sst lr;
	_ =	strace $0xD0000000  }
0x3: {  	_ = 	snop  }
0x4: {  	_ = 	snop  }
0x5: {  	_ = 	snop  }
0x6: {  	_ = 	snop  }
0x7: {  	_ = 	snop  }
__scs_overlays_trampoline_lowered:
0x8: {  	[smem:$0x3FAA] =	sst s0  }
0x9: {  	[smem:$0x3FAB] =	sst s1  }
0xa: {  	[smem:$0x3FAC] =	sst s2  }
0xb: {  	[smem:$0x3FAD] =	sst s3  }
0xc: {  	[smem:$0x3FAE] =	sst s4  }
0xd: {  	[smem:$0x3FAF] =	sst s5  }
0xe: {  	[smem:$0x3FB0] =	sst s6  }
0xf: {  	[smem:$0x3FB1] =	sst s7  }
0x10: {  	[smem:$0x3FB2] =	sst s8  }
0x11: {  	[smem:$0x3FB3] =	sst s9;
	s0 =	simm.s32 @!p0 $0x0  }
0x12: {  	s1 =	sld [smem:$0x3F99];
	s0 =	simm.s32 @p0 $0x1  }
0x13: {  	[smem:$0x3FB4] =	sst s0;
	s0 =	simm.s32 @!p1 $0x0  }
0x14: {  	s2 =	sld [smem:$0x3F98];
	s0 =	simm.s32 @p1 $0x1  }
0x15: {  	[smem:$0x3FB5] =	sst s0;
	s0 =	simm.s32 @!p2 $0x0  }
0x16: {  	s3 =	sld [smem:$0x3FDB];
	s0 =	simm.s32 @p2 $0x1  }
0x17: {  	s4 =	simm.s32 $0x1BF5;
	[smem:$0x3FB7] =	sst s0  }
0x18: {  	s0 =	sld [smem:$0x3F9A];
	_ =	swait.ge [sflag:s4], $0x0  }
0x19: {  	s7 =	sld [smem:$0x3F9B]  }
0x1a: {  	s8 =	sadd.s32 $0xFFFFE003, lr  }
0x1b: {  	s9 =	sadd.s32 $0xFFFFFEF7, lr;
	s5 =	simm.s32 $0xFFFFFFFF;
	p2 =	slt.u32 s8, $0xFFFFF086  }
0x1c: {  	p1 =	slt.u32 s9, $0xF7A;
	s5 =	simm.s32 @!p2 $0x0  }
0x1d: {  	s5 =	simm.s32 @p1 $0x1;
	p0 =	seq.s32 s7, s2  }
0x1e: {  	s7 =	smul.u32 @!p0 $0xF7A, s2;
	p2 =	seq.s32 @!p0 s5, $0x0  }
0x1f: {  	s9 =	smul.u32 $0xF7A, s1;
	s8 =	simm.s32 @!p0 $0x1BF5;
	p2 =	por !p2, p0  }
0x20: {  	[sflag:s8] =	ssyncset.s32 @!p0 $0xFFFFF086;
	s6 =	sadd.s32 @!p0 s3, s7;
	s7 =	simm.s32 @!p0 $0x108  }
0x21: {  	s3 =	sadd.s32 s3, s9;
	s6 =	sadd.s32 @!p0 $0x88, s6;
	s7 =	simm.s32 @p2 $0x1082  }
0x22: {  	[simem:s7], [sflag:s8] =	dma.local @!p0 [hbm:s6], $0xF7A  }
0x23: {  	s9 =	sor.u32 $0xD0000000, s2;
	s6 =	simm.s32 $0x108;
	_ =	swait.ge @!p0 [sflag:s8], $0x0  }
0x24: {  	s3 =	sadd.s32 $0x88, s3;
	s6 =	simm.s32 @!p1 $0x1082;
	[sflag:s4] =	ssyncset.s32 $0xFFFFF086  }
0x25: {  	[simem:s6], [sflag:s4] =	dma.local [hbm:s3], $0xF7A  }
0x26: {  	[smem:$0x3F9B] =	sst s1;
	(tag) =	ssettag s2;
	_ =	strace s9  }
0x27: {  	s1 =	sld [smem:$0x3FAB]  }
0x28: {  	s2 =	sld [smem:$0x3FAC]  }
0x29: {  	s4 =	sld [smem:$0x3FAE]  }
0x2a: {  	p0 =	seq.s32 s5, $0x0;
	s5 =	sld [smem:$0x3FAF]  }
0x2b: {  	s6 =	sld [smem:$0x3FB0]  }
0x2c: {  	s7 =	sld [smem:$0x3FB1]  }
0x2d: {  	s3 =	simm.s32 $0x108;
	s8 =	sld [smem:$0x3FB2]  }
0x2e: {  	s3 =	simm.s32 @!p0 $0x1082;
	s9 =	sld [smem:$0x3FB3]  }
0x2f: {  	lr =	sadd.s32 s0, s3;
	s0 =	sld [smem:$0x3FAA]  }
0x30: {  	s3 =	sld [smem:$0x3FAD]  }
0x31: {  	[smem:$0x3FB6] =	sst s10  }
0x32: {  	s10 =	sld [smem:$0x3FB4];
	_ =	sdelay $0x3  }
0x33: {  	p0 =	seq.s32 s10, $0x1;
	s10 =	sld [smem:$0x3FB6];
	_ =	sdelay $0x3  }
0x34: {  	[smem:$0x3FB6] =	sst s10  }
0x35: {  	s10 =	sld [smem:$0x3FB5];
	_ =	sdelay $0x3  }
0x36: {  	p1 =	seq.s32 s10, $0x1;
	s10 =	sld [smem:$0x3FB6];
	_ =	sdelay $0x3  }
0x37: {  	[smem:$0x3FB6] =	sst s10  }
0x38: {  	s10 =	sld [smem:$0x3FB7]  }
0x39: {  	_ = 	snop;
	(pc) =	sbr.ind lr, $3  }
0x3a: {  	_ = 	snop  }
0x3b: {  	_ = 	snop  }
0x3c: {  	p2 =	seq.s32 s10, $0x1;
	s10 =	sld [smem:$0x3FB6]  }
0x3d: {  	_ =	shalt  }
0x3e: {  	_ =	shalt  }
0x3f: {  	_ =	shalt  }
0x40: {  	_ =	shalt  }
0x41: {  	_ =	shalt  }
0x42: {  	_ =	shalt  }
0x43: {  	_ =	shalt  }
0x44: {  	_ =	shalt  }
0x45: {  	_ =	shalt  }
0x46: {  	_ =	shalt  }
0x47: {  	_ =	shalt  }
0x48: {  	_ =	shalt  }
0x49: {  	_ =	shalt  }
0x4a: {  	_ =	shalt  }
0x4b: {  	_ =	shalt  }
0x4c: {  	_ =	shalt  }
0x4d: {  	_ =	shalt  }
0x4e: {  	_ =	shalt  }
0x4f: {  	_ =	shalt  }
0x50: {  	_ =	shalt  }
0x51: {  	_ =	shalt  }
0x52: {  	_ =	shalt  }
0x53: {  	_ =	shalt  }
0x54: {  	_ =	shalt  }
0x55: {  	_ =	shalt  }
0x56: {  	_ =	shalt  }
0x57: {  	_ =	shalt  }
0x58: {  	_ =	shalt  }
0x59: {  	_ =	shalt  }
0x5a: {  	_ =	shalt  }
0x5b: {  	_ =	shalt  }
0x5c: {  	_ =	shalt  }
0x5d: {  	_ =	shalt  }
0x5e: {  	_ =	shalt  }
0x5f: {  	_ =	shalt  }
0x60: {  	_ =	shalt  }
0x61: {  	_ =	shalt  }
0x62: {  	_ =	shalt  }
0x63: {  	_ =	shalt  }
0x64: {  	_ =	shalt  }
0x65: {  	_ =	shalt  }
0x66: {  	_ =	shalt  }
0x67: {  	_ =	shalt  }
0x68: {  	_ =	shalt  }
0x69: {  	_ =	shalt  }
0x6a: {  	_ =	shalt  }
0x6b: {  	_ =	shalt  }
0x6c: {  	_ =	shalt  }
0x6d: {  	_ =	shalt  }
0x6e: {  	_ =	shalt  }
0x6f: {  	_ =	shalt  }
0x70: {  	_ =	shalt  }
0x71: {  	_ =	shalt  }
0x72: {  	_ =	shalt  }
0x73: {  	_ =	shalt  }
0x74: {  	_ =	shalt  }
0x75: {  	_ =	shalt  }
0x76: {  	_ =	shalt  }
0x77: {  	_ =	shalt  }
0x78: {  	_ =	shalt  }
0x79: {  	_ =	shalt  }
0x7a: {  	_ =	shalt  }
0x7b: {  	_ =	shalt  }
0x7c: {  	_ =	shalt  }
0x7d: {  	_ =	shalt  }
0x7e: {  	_ =	shalt  }
0x7f: {  	_ =	shalt  }
0x80: {  	_ =	shalt  }
0x81: {  	_ =	shalt  }
0x82: {  	_ =	shalt  }
0x83: {  	_ =	shalt  }
0x84: {  	_ =	shalt  }
0x85: {  	_ =	shalt  }
0x86: {  	_ =	shalt  }
0x87: {  	_ =	shalt  }
.Lfunc_end0:
.L_simem_size_0:
called_computation.1_lowered:
.L_overlay_start_0:
0x88: {  	s2 =	sld [smem:$0x3FD9]  }
0x89: {  	s3 =	sld [smem:$0x3FFE];
	_ =	sdelay $0x1  }
0x8a: {  	s1 =	srdreg.scid  }
0x8b: {  	s0 =	sand.u32 $0x1, s1  }
0x8c: {  	s16 =	sshll.u32 s0, $0xA;
	s2 =	sadd.s32 s3, s2  }
0x8d: {  	s2 =	sadd.s32 s2, s16  }
0x8e: {  	[smem:$0x3FC2] =	sst s2  }
0x8f: {  	_ = 	snop  }
0x90: {  	(tm) =	ssettm $0x1  }
0x91: {  	s17 =	sld [smem:$0x3FFB];
	_ =	sdelay $0x3  }
0x92: {  	_ =	strace s17  }
0x93: {  	s2 =	sld [smem:$0x3FFC];
	_ =	sdelay $0x3  }
0x94: {  	_ =	strace s2  }
0x95: {  	s2 =	sld [smem:$0x3FFD];
	_ =	sdelay $0x3  }
0x96: {  	_ =	strace s2  }
0x97: {  	_ =	strace $0x8FFFFFFF  }
0x98: {  	s18 =	sld [smem:$0x3FDB];
	_ =	sdelay $0x1  }
0x99: {  	s19 =	simm.s32 $_scs_section_size  }
0x9a: {  	s4 =	simm.s32 $_size__tile_overlayer_lowered;
	s5 =	simm.s32 $_tile_overlayer_lowered  }
0x9b: {  	s22 =	simm.s32 $0x1BFF;
	s21 =	sshll.u32 s5, $0x1;
	s2 =	sadd.s32 s19, s18  }
0x9c: {  	s6 =	simm.s32 $0x0;
	s20 =	sshll.u32 s4, $0x1;
	s4 =	sadd.s32 s21, s2  }
0x9d: {  	[timem:s6], [sflag:s22] =	dma.local [hbm:s4], s20  }
0x9e: {  	_ =	swait.ge [sflag:s22], s20  }
0x9f: {  	s3 =	ssub.s32 $0x0, s20;
	[sflag:s22] =	ssyncset.done $0x0  }
0xa0: {  	[sflag:s22] =	ssyncadd.s32 s3;
	_ =	sdelay $0x1  }
0xa1: {  	s23 =	simm.s32 $0x1B8B  }
0xa2: {  	_ =	swait.ge [sflag:s23], $0x1  }
0xa3: {  	[sflag:s23] =	ssyncset.done $0x0  }
0xa4: {  	s25 =	simm.s32 $0x1B8E;
	s24 =	sld [smem:$0x3FFE];
	[sflag:s23] =	ssyncadd.s32 $0xFFFFFFFF  }
0xa5: {  	s26 =	simm.s32 $execute0_lowered;
	[smem:$0x3FD2] =	sst s25  }
0xa6: {  	s4 =	sshll.u32 s26, $0x1;
	_ =	strace $0x80000049;
	[dreg:$0x1] =	wrdreg $0xFFFFFFFF  }
0xa7: {  	s28 =	simm.s32 $_size_execute0_lowered;
	s2 =	sadd.s32 s2, s4;
	[dreg:$0x0] =	wrdreg $0x0  }
0xa8: {  	s4 =	sshll.u32 s28, $0x1;
	[dreg:$0x2] =	wrdreg s2  }
0xa9: {  	[dreg:$0x3] =	wrdreg s4  }
0xaa: {  	[dreg:$0x4] =	wrdreg $0xC0  }
0xab: {  	_ =	task [dreg:s6], $0x5FFFF  }
0xac: {  	[dreg:$0x1] =	wrdreg $0xFFFFFFFF  }
0xad: {  	[dreg:$0x0] =	wrdreg $0x60  }
0xae: {  	[dreg:$0x2] =	wrdreg s24  }
0xaf: {  	[dreg:$0x3] =	wrdreg $0x90000  }
0xb0: {  	[dreg:$0x4] =	wrdreg $0x12E000  }
0xb1: {  	[dreg:$0x5] =	wrdreg $0x9  }
0xb2: {  	_ =	task.clear_ibuf [dreg:s6], $0x6FFFF;
	_ =	strace $0x90000049  }
0xb3: {  	s29 =	simm.s32 $0x9;
	_ =	strace $0x8000004B  }
0xb4: {  	_ =	swait.ge [sflag:s29], $0x1  }
0xb5: {  	[sflag:s29] =	ssyncadd.s32 $0xFFFFFFFF  }
0xb6: {  	_ =	strace $0x9000004B  }
0xb7: {  	_ =	sfence  }
0xb8: {  	s30 =	sld [smem:$0x0];
	_ =	sdelay $0x2  }
0xb9: {  	s31 =	sshll.u32 s1, $0xD;
	s1 =	sshrl.u32 s1, $0x2  }
0xba: {  	s3 =	sand.u32 $0x4000, s31;
	s1 =	sadd.s32 s1, s30  }
0xbb: {  	s0 =	sor.u32 s3, s0;
	s1 =	sshll.u32 s1, $0x11  }
0xbc: {  	s0 =	sor.u32 s1, s0  }
0xbd: {  	s0 =	sadd.s32 $0x8F2B, s0  }
0xbe: {  	[sflag:s0] =	ssyncadd.remote.s32 $0x1  }
0xbf: {  	_ =	sfence.sel $0xFFFF  }
0xc0: {  	[dreg:$0x0] =	wrdreg $0xFFFFFFFF;
	(pc) =	sbr.abs _section_cstart, $3  }
0xc1: {  	[dreg:$0x1] =	wrdreg $0xFFFFFFFF  }
0xc2: {  	_ =	task.clear_ibuf [dreg:s6], $0x2FFFF;
	_ =	strace $0x9FFFFFFF  }
0xc3: {  	(tm) =	ssettm $0x7FFFFFFF  }
tec
execute0_lowered:
.L_overlay_start_1:
0x0: {  	(tag) =	ssettag $0x1  }
0x1: {  	s5 =	rddreg [dreg:$0x0]  }
0x2: {  	s2 =	rddreg [dreg:$0x1]  }
0x3: {  	s0 =	srdreg.scid;
	s3 =	rddreg [dreg:$0x2]  }
0x4: {  	s1 =	stileid.u32;
	s4 =	simm.s32 $0x0;
	s16 =	simm.s32 $0x2800  }
0x5: {  	s17 =	simm.s32 $0x80;
	s18 =	simm.s32 $0x5000;
	s19 =	simm.s32 $0x7000  }
0x6: {  	s20 =	simm.s32 $0x1;
	s21 =	simm.s32 $0x2;
	s22 =	simm.s32 $0x4F00  }
0x7: {  	s23 =	simm.s32 $0x4F80;
	s6 =	sand.u32 $0x1, s0;
	s0 =	rddreg [dreg:$0x3]  }
0x8: {  	s24 =	simm.s32 $0x0;
	s8 =	smul.u32 $0x9E00, s1;
	[smem:$0x7FF] =	sst s4  }
0x9: {  	s11 =	sadd.s32 $0xBC00, s5;
	s12 =	sadd.s32 $0x1400, s5;
	s10 =	smul.u32 $0x5000, s1  }
0xa: {  	s31 =	sshll.u32 s1, $0x6;
	s7 =	smul.u32 $0x9E000, s6;
	s6 =	ssub.s32 $0x2, s6  }
0xb: {  	_ =	strace $0x8000004A;
	s30 =	sshrl.u32 s6, $0x1;
	s13 =	sadd.s32 s8, s2  }
0xc: {  	s15 =	sadd.s32 s8, s3;
	s10 =	sshrl.u32 s10, $0x3;
	s7 =	sadd.s32 s8, s7  }
0xd: {  	s9 =	ssub.s32 s6, s30;
	s6 =	sor.u32 $0x1C03, s31;
	s14 =	sadd.s32 $0x500, s10  }
0xe: {  	s13 =	sshrl.u32 s13, $0x3;
	s15 =	sshrl.u32 s15, $0x3;
	s7 =	sshrl.u32 s7, $0x3  }
0xf: {  	s8 =	smax.u32 s9, $0x1;
	s9 =	sadd.s32 s11, s10;
	s10 =	sadd.s32 s12, s10  }
0x10: {  	s11 =	sadd.s32 s11, s14;
	s12 =	sadd.s32 s12, s14;
	s7 =	sadd.s32 s7, s5  }
0x11: {  	s14 =	simm.s32 $0x3;
	s5 =	sadd.s32 $0x64C00, s7;
	s7 =	sadd.s32 $0x8C400, s7  }
.LBB2_1:
0x12: {  	[spmem:s13], [sflag:s6] =	dma.local [hbm:s5], $0x13C0  }
0x13: {  	_ =	swait.ge [sflag:s14], $0x13C0  }
0x14: {  	[sflag:s14] =	ssyncset.done $0x0  }
0x15: {  	[sflag:s14] =	ssyncadd.s32 $0xFFFFEC40  }
0x16: {  	[spmem:s15], [sflag:s6] =	dma.local [hbm:s5], $0x13C0  }
0x17: {  	_ =	swait.ge [sflag:s14], $0x13C0  }
0x18: {  	[sflag:s14] =	ssyncset.done $0x0  }
0x19: {  	[sflag:s14] =	ssyncadd.s32 $0xFFFFEC40  }
0x1a: {  	[bflag:$0x0] =	sbarrier.arrive $0xFFFF  }
0x1b: {  	[tilespmem:s4], [sflag:$0x3] =	stream.linear.gather [hbm4b:s9+s4], $0x2800, $0x38;
	[tilespmem:$0x1CC00] =	vst v63  }
0x1c: {  	_ =	swait.ge [sflag:s14], $0x2800  }
0x1d: {  	[sflag:s14] =	ssyncset.done $0x0  }
0x1e: {  	[sflag:s14] =	ssyncadd.s32 $0xFFFFD800  }
0x1f: {  	[tilespmem:s16], [sflag:$0x3] =	stream.linear.gather [hbm4b:s10+s4], $0x2800, $0x38;
	[tilespmem:$0x1CC00] =	vst v63  }
0x20: {  	_ =	swait.ge [sflag:s14], $0x2800  }
0x21: {  	[sflag:s14] =	ssyncset.done $0x0  }
0x22: {  	[sflag:s14] =	ssyncadd.s32 $0xFFFFD800  }
0x23: {  	[tilespmem:s18], [sflag:$0x1] =	stream.indirect.gather [spmem:s2], $0x40, s4, s17, $0xb8;
	[tilespmem:$0x1CC00] =	vst v63  }
0x24: {  	_ = 	snop  }
0x25: {  	[tilespmem:s19], [sflag:$0x2] =	stream.indirect.gather [spmem:s2], $0x40, s17, s17, $0xb8;
	[tilespmem:$0x1CC00] =	vst v63  }
0x26: {  	_ =	swait.ge [sflag:s20], $0x2000  }
0x27: {  	[sflag:s20] =	ssyncset.done $0x0  }
0x28: {  	s25 =	simm.s32 $0x2800;
	[sflag:s20] =	ssyncadd.s32 $0xFFFFE000  }
0x29: {  	[spmem:s3] =	stream.indirect.scatter.add.f32 [tilespmem:s18], [sflag:$0x3], $0x40, s25, s17, $0xb8;
	[tilespmem:$0x1CC00] =	vst v63  }
0x2a: {  	_ =	swait.ge [sflag:s14], $0x2000  }
0x2b: {  	[sflag:s14] =	ssyncset.done $0x0  }
0x2c: {  	s30 =	simm.s32 $0x100;
	[sflag:s14] =	ssyncadd.s32 $0xFFFFE000  }
0x2d: {  	[tilespmem:s18], [sflag:$0x1] =	stream.indirect.gather [spmem:s2], $0x40, s30, s17, $0xb8;
	[tilespmem:$0x1CC00] =	vst v63  }
0x2e: {  	_ =	swait.ge [sflag:s21], $0x2000  }
0x2f: {  	[sflag:s21] =	ssyncset.done $0x0  }
0x30: {  	s31 =	simm.s32 $0x2880;
	[sflag:s21] =	ssyncadd.s32 $0xFFFFE000  }
0x31: {  	[spmem:s3] =	stream.indirect.scatter.add.f32 [tilespmem:s19], [sflag:$0x3], $0x40, s31, s17, $0xb8;
	[tilespmem:$0x1CC00] =	vst v63  }
0x32: {  	_ =	swait.ge [sflag:s14], $0x2000  }
0x33: {  	[sflag:s14] =	ssyncset.done $0x0  }
0x34: {  	s26 =	simm.s32 $0x180;
	s25 =	simm.s32 $0x400;
	[sflag:s14] =	ssyncadd.s32 $0xFFFFE000  }
.LBB2_2:
0x35: {  	[tilespmem:s19], [sflag:$0x2] =	stream.indirect.gather [spmem:s2], $0x40, s26, s17, $0xb8;
	[tilespmem:$0x1CC00] =	vst v63  }
0x36: {  	s26 =	smov.u32 s25  }
0x37: {  	p0 =	sne.s32 s25, $0x9800;
	s25 =	sadd.s32 $0x400, s25;
	_ =	swait.ge [sflag:s20], $0x2000  }
0x38: {  	s26 =	sshra.s32 s26, $0x2;
	[sflag:s20] =	ssyncset.done $0x0  }
0x39: {  	s28 =	sadd.s32 $0x2800, s26;
	[sflag:s20] =	ssyncadd.s32 $0xFFFFE000  }
0x3a: {  	[spmem:s3] =	stream.indirect.scatter.add.f32 [tilespmem:s18], [sflag:$0x3], $0x40, s28, s17, $0xb8;
	[tilespmem:$0x1CC00] =	vst v63  }
0x3b: {  	_ =	swait.ge [sflag:s14], $0x2000  }
0x3c: {  	[sflag:s14] =	ssyncset.done $0x0  }
0x3d: {  	s28 =	sadd.s32 $0x100, s26;
	[sflag:s14] =	ssyncadd.s32 $0xFFFFE000  }
0x3e: {  	[tilespmem:s18], [sflag:$0x1] =	stream.indirect.gather [spmem:s2], $0x40, s28, s17, $0xb8;
	[tilespmem:$0x1CC00] =	vst v63  }
0x3f: {  	_ =	swait.ge [sflag:s21], $0x2000  }
0x40: {  	[sflag:s21] =	ssyncset.done $0x0  }
.Ltmp0:
0x41: {  	s28 =	sadd.s32 $0x2880, s26;
	[sflag:s21] =	ssyncadd.s32 $0xFFFFE000;
	(pc) =	sbr.rel @p0 .LBB2_2-.Ltmp0, $4  }
0x42: {  	[spmem:s3] =	stream.indirect.scatter.add.f32 [tilespmem:s19], [sflag:$0x3], $0x40, s28, s17, $0xb8;
	[tilespmem:$0x1CC00] =	vst v63  }
0x43: {  	_ =	swait.ge [sflag:s14], $0x2000  }
0x44: {  	[sflag:s14] =	ssyncset.done $0x0  }
0x45: {  	s26 =	sadd.s32 $0x180, s26;
	[sflag:s14] =	ssyncadd.s32 $0xFFFFE000  }
0x46: {  	[tilespmem:s19], [sflag:$0x2] =	stream.indirect.gather [spmem:s2], $0x40, s26, s17, $0xb8;
	[tilespmem:$0x1CC00] =	vst v63  }
0x47: {  	_ =	swait.ge [sflag:s20], $0x2000  }
0x48: {  	[sflag:s20] =	ssyncset.done $0x0  }
0x49: {  	[sflag:s20] =	ssyncadd.s32 $0xFFFFE000  }
0x4a: {  	[spmem:s3] =	stream.indirect.scatter.add.f32 [tilespmem:s18], [sflag:$0x3], $0x40, s22, s17, $0xb8;
	[tilespmem:$0x1CC00] =	vst v63  }
0x4b: {  	_ =	swait.ge [sflag:s14], $0x2000  }
0x4c: {  	[sflag:s14] =	ssyncset.done $0x0  }
0x4d: {  	[sflag:s14] =	ssyncadd.s32 $0xFFFFE000  }
0x4e: {  	_ =	swait.ge [sflag:s21], $0x2000  }
0x4f: {  	[sflag:s21] =	ssyncset.done $0x0  }
0x50: {  	[sflag:s21] =	ssyncadd.s32 $0xFFFFE000  }
0x51: {  	[spmem:s3] =	stream.indirect.scatter.add.f32 [tilespmem:s19], [sflag:$0x3], $0x40, s23, s17, $0xb8;
	[tilespmem:$0x1CC00] =	vst v63  }
0x52: {  	_ =	swait.ge [sflag:s14], $0x2000  }
0x53: {  	[sflag:s14] =	ssyncset.done $0x0  }
0x54: {  	s25 =	simm.s32 $0x0;
	[sflag:s14] =	ssyncadd.s32 $0xFFFFE000  }
0x55: {  	[tilespmem:s25], [sflag:$0x3] =	stream.linear.gather [hbm4b:s11+s25], $0x2800, $0x38;
	[tilespmem:$0x1CC00] =	vst v63  }
0x56: {  	_ =	swait.ge [sflag:s14], $0x2800  }
0x57: {  	[sflag:s14] =	ssyncset.done $0x0  }
0x58: {  	[sflag:s14] =	ssyncadd.s32 $0xFFFFD800  }
0x59: {  	[tilespmem:s16], [sflag:$0x3] =	stream.linear.gather [hbm4b:s12+s25], $0x2800, $0x38;
	[tilespmem:$0x1CC00] =	vst v63  }
0x5a: {  	_ =	swait.ge [sflag:s14], $0x2800  }
0x5b: {  	[sflag:s14] =	ssyncset.done $0x0  }
0x5c: {  	[sflag:s14] =	ssyncadd.s32 $0xFFFFD800  }
0x5d: {  	[tilespmem:s18], [sflag:$0x1] =	stream.indirect.gather [spmem:s2], $0x40, s25, s17, $0xb8;
	[tilespmem:$0x1CC00] =	vst v63  }
0x5e: {  	_ = 	snop  }
0x5f: {  	[tilespmem:s19], [sflag:$0x2] =	stream.indirect.gather [spmem:s2], $0x40, s17, s17, $0xb8;
	[tilespmem:$0x1CC00] =	vst v63  }
0x60: {  	_ =	swait.ge [sflag:s20], $0x2000  }
0x61: {  	[sflag:s20] =	ssyncset.done $0x0  }
0x62: {  	s29 =	simm.s32 $0x2800;
	[sflag:s20] =	ssyncadd.s32 $0xFFFFE000  }
0x63: {  	[spmem:s3] =	stream.indirect.scatter.add.f32 [tilespmem:s18], [sflag:$0x3], $0x40, s29, s17, $0xb8;
	[tilespmem:$0x1CC00] =	vst v63  }
0x64: {  	_ =	swait.ge [sflag:s14], $0x2000  }
0x65: {  	[sflag:s14] =	ssyncset.done $0x0  }
0x66: {  	s30 =	simm.s32 $0x100;
	[sflag:s14] =	ssyncadd.s32 $0xFFFFE000  }
0x67: {  	[tilespmem:s18], [sflag:$0x1] =	stream.indirect.gather [spmem:s2], $0x40, s30, s17, $0xb8;
	[tilespmem:$0x1CC00] =	vst v63  }
0x68: {  	_ =	swait.ge [sflag:s21], $0x2000  }
0x69: {  	[sflag:s21] =	ssyncset.done $0x0  }
0x6a: {  	s31 =	simm.s32 $0x2880;
	[sflag:s21] =	ssyncadd.s32 $0xFFFFE000  }
0x6b: {  	[spmem:s3] =	stream.indirect.scatter.add.f32 [tilespmem:s19], [sflag:$0x3], $0x40, s31, s17, $0xb8;
	[tilespmem:$0x1CC00] =	vst v63  }
0x6c: {  	_ =	swait.ge [sflag:s14], $0x2000  }
0x6d: {  	[sflag:s14] =	ssyncset.done $0x0  }
0x6e: {  	s26 =	simm.s32 $0x180;
	s25 =	simm.s32 $0x400;
	[sflag:s14] =	ssyncadd.s32 $0xFFFFE000  }
.LBB2_4:
0x6f: {  	[tilespmem:s19], [sflag:$0x2] =	stream.indirect.gather [spmem:s2], $0x40, s26, s17, $0xb8;
	[tilespmem:$0x1CC00] =	vst v63  }
0x70: {  	s26 =	smov.u32 s25  }
0x71: {  	p0 =	sne.s32 s25, $0x9800;
	s25 =	sadd.s32 $0x400, s25;
	_ =	swait.ge [sflag:s20], $0x2000  }
0x72: {  	s26 =	sshra.s32 s26, $0x2;
	[sflag:s20] =	ssyncset.done $0x0  }
0x73: {  	s28 =	sadd.s32 $0x2800, s26;
	[sflag:s20] =	ssyncadd.s32 $0xFFFFE000  }
0x74: {  	[spmem:s3] =	stream.indirect.scatter.add.f32 [tilespmem:s18], [sflag:$0x3], $0x40, s28, s17, $0xb8;
	[tilespmem:$0x1CC00] =	vst v63  }
0x75: {  	_ =	swait.ge [sflag:s14], $0x2000  }
0x76: {  	[sflag:s14] =	ssyncset.done $0x0  }
0x77: {  	s28 =	sadd.s32 $0x100, s26;
	[sflag:s14] =	ssyncadd.s32 $0xFFFFE000  }
0x78: {  	[tilespmem:s18], [sflag:$0x1] =	stream.indirect.gather [spmem:s2], $0x40, s28, s17, $0xb8;
	[tilespmem:$0x1CC00] =	vst v63  }
0x79: {  	_ =	swait.ge [sflag:s21], $0x2000  }
0x7a: {  	[sflag:s21] =	ssyncset.done $0x0  }
.Ltmp1:
0x7b: {  	s28 =	sadd.s32 $0x2880, s26;
	[sflag:s21] =	ssyncadd.s32 $0xFFFFE000;
	(pc) =	sbr.rel @p0 .LBB2_4-.Ltmp1, $4  }
0x7c: {  	[spmem:s3] =	stream.indirect.scatter.add.f32 [tilespmem:s19], [sflag:$0x3], $0x40, s28, s17, $0xb8;
	[tilespmem:$0x1CC00] =	vst v63  }
0x7d: {  	_ =	swait.ge [sflag:s14], $0x2000  }
0x7e: {  	[sflag:s14] =	ssyncset.done $0x0  }
0x7f: {  	s26 =	sadd.s32 $0x180, s26;
	[sflag:s14] =	ssyncadd.s32 $0xFFFFE000  }
0x80: {  	[tilespmem:s19], [sflag:$0x2] =	stream.indirect.gather [spmem:s2], $0x40, s26, s17, $0xb8;
	[tilespmem:$0x1CC00] =	vst v63  }
0x81: {  	_ =	swait.ge [sflag:s20], $0x2000  }
0x82: {  	[sflag:s20] =	ssyncset.done $0x0  }
0x83: {  	[sflag:s20] =	ssyncadd.s32 $0xFFFFE000  }
0x84: {  	[spmem:s3] =	stream.indirect.scatter.add.f32 [tilespmem:s18], [sflag:$0x3], $0x40, s22, s17, $0xb8;
	[tilespmem:$0x1CC00] =	vst v63  }
0x85: {  	_ =	swait.ge [sflag:s14], $0x2000  }
0x86: {  	[sflag:s14] =	ssyncset.done $0x0  }
0x87: {  	[sflag:s14] =	ssyncadd.s32 $0xFFFFE000  }
0x88: {  	_ =	swait.ge [sflag:s21], $0x2000  }
0x89: {  	[sflag:s21] =	ssyncset.done $0x0  }
0x8a: {  	[sflag:s21] =	ssyncadd.s32 $0xFFFFE000  }
0x8b: {  	[spmem:s3] =	stream.indirect.scatter.add.f32 [tilespmem:s19], [sflag:$0x3], $0x40, s23, s17, $0xb8;
	[tilespmem:$0x1CC00] =	vst v63  }
0x8c: {  	_ =	swait.ge [sflag:s14], $0x2000  }
0x8d: {  	s24 =	sadd.s32 $0x1, s24;
	[sflag:s14] =	ssyncset.done $0x0  }
0x8e: {  	p0 =	sne.s32 s24, s8;
	[sflag:s14] =	ssyncadd.s32 $0xFFFFE000  }
.Ltmp2:
0x8f: {  	[bflag:$0x0] =	sbarrier.arrive $0xFFFF;
	(pc) =	sbr.rel @p0 .LBB2_1-.Ltmp2, $4  }
0x90: {  	[hbm:s7], [sflag:s6] =	dma.local [spmem:s15], $0x13C0  }
0x91: {  	_ =	swait.ge [sflag:s14], $0x13C0  }
0x92: {  	[sflag:s14] =	ssyncset.done $0x0  }
0x93: {  	[sflag:s14] =	ssyncadd.s32 $0xFFFFEC40  }
0x94: {  	_ =	sfence.sel $0x180000  }
0x95: {  	[bflag:$0x0] =	sbarrier.arrive $0xFFFF  }
0x96: {  	p0 =	sne.s32 s1, $0x0;
	_ =	strace $0x9000004A  }
0x97: {  	s0 =	sadd.s32 @!p0 $0x100000, s0;
	[bflag:$0x2] =	sbarrier.arrive $0xFFFF  }
0x98: {  	[sflag:s0] =	ssyncadd.tile.s32 @!p0 $0x1;
	_ =	shalt  }
.Lfunc_end2:
_tile_overlayer_lowered:
.L_overlay_start_2:
0x99: {  	(tag) =	ssettag $0x2  }
0x9a: {  	s0 =	rddreg [dreg:$0x0];
	s2 =	stileid.u32  }
0x9b: {  	s1 =	rddreg [dreg:$0x1];
	p0 =	sne.s32 s2, $0x0  }
0x9c: {  	s3 =	rddreg [dreg:$0x2];
	[bflag:$0x3] =	sbarrier.arrive $0xFFFF;
	s2 =	simm.s32 @!p0 $0x1C03  }
0x9d: {  	[timem:s3], [sflag:s2] =	dma.local @!p0 [hbm:s0], s1  }
0x9e: {  	s0 =	simm.s32 @!p0 $0x3  }
0x9f: {  	_ =	swait.ge @!p0 [sflag:s0], s1  }
0xa0: {  	s1 =	ssub.s32 @!p0 $0x0, s1;
	[sflag:s0] =	ssyncset.done @!p0 $0x0  }
0xa1: {  	[sflag:s0] =	ssyncadd.s32 @!p0 s1  }
0xa2: {  	[bflag:$0x3] =	sbarrier.arrive $0xFFFF  }
0xa3: {  	_ =	shalt  }

// kernel: kernel.15.cloned.1.call-start
scs
__scs_entry_jumppad:
0x0: {  	(pc) =	sbr.rel $0x88, $3  }
0x1: {  	(tag) =	ssettag $0x0;
	lr =	simm.s32 $0x1  }
0x2: {  	[smem:$0x3F9B] =	sst lr;
	_ =	strace $0xD0000000  }
0x3: {  	_ = 	snop  }
0x4: {  	_ = 	snop  }
0x5: {  	_ = 	snop  }
0x6: {  	_ = 	snop  }
0x7: {  	_ = 	snop  }
__scs_overlays_trampoline_lowered:
0x8: {  	[smem:$0x3FAA] =	sst s0  }
0x9: {  	[smem:$0x3FAB] =	sst s1  }
0xa: {  	[smem:$0x3FAC] =	sst s2  }
0xb: {  	[smem:$0x3FAD] =	sst s3  }
0xc: {  	[smem:$0x3FAE] =	sst s4  }
0xd: {  	[smem:$0x3FAF] =	sst s5  }
0xe: {  	[smem:$0x3FB0] =	sst s6  }
0xf: {  	[smem:$0x3FB1] =	sst s7  }
0x10: {  	[smem:$0x3FB2] =	sst s8  }
0x11: {  	[smem:$0x3FB3] =	sst s9;
	s0 =	simm.s32 @!p0 $0x0  }
0x12: {  	s1 =	sld [smem:$0x3F99];
	s0 =	simm.s32 @p0 $0x1  }
0x13: {  	[smem:$0x3FB4] =	sst s0;
	s0 =	simm.s32 @!p1 $0x0  }
0x14: {  	s2 =	sld [smem:$0x3F98];
	s0 =	simm.s32 @p1 $0x1  }
0x15: {  	[smem:$0x3FB5] =	sst s0;
	s0 =	simm.s32 @!p2 $0x0  }
0x16: {  	s3 =	sld [smem:$0x3FDB];
	s0 =	simm.s32 @p2 $0x1  }
0x17: {  	s4 =	simm.s32 $0x1BF5;
	[smem:$0x3FB7] =	sst s0  }
0x18: {  	s0 =	sld [smem:$0x3F9A];
	_ =	swait.ge [sflag:s4], $0x0  }
0x19: {  	s7 =	sld [smem:$0x3F9B]  }
0x1a: {  	s8 =	sadd.s32 $0xFFFFE003, lr  }
0x1b: {  	s9 =	sadd.s32 $0xFFFFFEF7, lr;
	s5 =	simm.s32 $0xFFFFFFFF;
	p2 =	slt.u32 s8, $0xFFFFF086  }
0x1c: {  	p1 =	slt.u32 s9, $0xF7A;
	s5 =	simm.s32 @!p2 $0x0  }
0x1d: {  	s5 =	simm.s32 @p1 $0x1;
	p0 =	seq.s32 s7, s2  }
0x1e: {  	s7 =	smul.u32 @!p0 $0xF7A, s2;
	p2 =	seq.s32 @!p0 s5, $0x0  }
0x1f: {  	s9 =	smul.u32 $0xF7A, s1;
	s8 =	simm.s32 @!p0 $0x1BF5;
	p2 =	por !p2, p0  }
0x20: {  	[sflag:s8] =	ssyncset.s32 @!p0 $0xFFFFF086;
	s6 =	sadd.s32 @!p0 s3, s7;
	s7 =	simm.s32 @!p0 $0x108  }
0x21: {  	s3 =	sadd.s32 s3, s9;
	s6 =	sadd.s32 @!p0 $0x88, s6;
	s7 =	simm.s32 @p2 $0x1082  }
0x22: {  	[simem:s7], [sflag:s8] =	dma.local @!p0 [hbm:s6], $0xF7A  }
0x23: {  	s9 =	sor.u32 $0xD0000000, s2;
	s6 =	simm.s32 $0x108;
	_ =	swait.ge @!p0 [sflag:s8], $0x0  }
0x24: {  	s3 =	sadd.s32 $0x88, s3;
	s6 =	simm.s32 @!p1 $0x1082;
	[sflag:s4] =	ssyncset.s32 $0xFFFFF086  }
0x25: {  	[simem:s6], [sflag:s4] =	dma.local [hbm:s3], $0xF7A  }
0x26: {  	[smem:$0x3F9B] =	sst s1;
	(tag) =	ssettag s2;
	_ =	strace s9  }
0x27: {  	s1 =	sld [smem:$0x3FAB]  }
0x28: {  	s2 =	sld [smem:$0x3FAC]  }
0x29: {  	s4 =	sld [smem:$0x3FAE]  }
0x2a: {  	p0 =	seq.s32 s5, $0x0;
	s5 =	sld [smem:$0x3FAF]  }
0x2b: {  	s6 =	sld [smem:$0x3FB0]  }
0x2c: {  	s7 =	sld [smem:$0x3FB1]  }
0x2d: {  	s3 =	simm.s32 $0x108;
	s8 =	sld [smem:$0x3FB2]  }
0x2e: {  	s3 =	simm.s32 @!p0 $0x1082;
	s9 =	sld [smem:$0x3FB3]  }
0x2f: {  	lr =	sadd.s32 s0, s3;
	s0 =	sld [smem:$0x3FAA]  }
0x30: {  	s3 =	sld [smem:$0x3FAD]  }
0x31: {  	[smem:$0x3FB6] =	sst s10  }
0x32: {  	s10 =	sld [smem:$0x3FB4];
	_ =	sdelay $0x3  }
0x33: {  	p0 =	seq.s32 s10, $0x1;
	s10 =	sld [smem:$0x3FB6];
	_ =	sdelay $0x3  }
0x34: {  	[smem:$0x3FB6] =	sst s10  }
0x35: {  	s10 =	sld [smem:$0x3FB5];
	_ =	sdelay $0x3  }
0x36: {  	p1 =	seq.s32 s10, $0x1;
	s10 =	sld [smem:$0x3FB6];
	_ =	sdelay $0x3  }
0x37: {  	[smem:$0x3FB6] =	sst s10  }
0x38: {  	s10 =	sld [smem:$0x3FB7]  }
0x39: {  	_ = 	snop;
	(pc) =	sbr.ind lr, $3  }
0x3a: {  	_ = 	snop  }
0x3b: {  	_ = 	snop  }
0x3c: {  	p2 =	seq.s32 s10, $0x1;
	s10 =	sld [smem:$0x3FB6]  }
0x3d: {  	_ =	shalt  }
0x3e: {  	_ =	shalt  }
0x3f: {  	_ =	shalt  }
0x40: {  	_ =	shalt  }
0x41: {  	_ =	shalt  }
0x42: {  	_ =	shalt  }
0x43: {  	_ =	shalt  }
0x44: {  	_ =	shalt  }
0x45: {  	_ =	shalt  }
0x46: {  	_ =	shalt  }
0x47: {  	_ =	shalt  }
0x48: {  	_ =	shalt  }
0x49: {  	_ =	shalt  }
0x4a: {  	_ =	shalt  }
0x4b: {  	_ =	shalt  }
0x4c: {  	_ =	shalt  }
0x4d: {  	_ =	shalt  }
0x4e: {  	_ =	shalt  }
0x4f: {  	_ =	shalt  }
0x50: {  	_ =	shalt  }
0x51: {  	_ =	shalt  }
0x52: {  	_ =	shalt  }
0x53: {  	_ =	shalt  }
0x54: {  	_ =	shalt  }
0x55: {  	_ =	shalt  }
0x56: {  	_ =	shalt  }
0x57: {  	_ =	shalt  }
0x58: {  	_ =	shalt  }
0x59: {  	_ =	shalt  }
0x5a: {  	_ =	shalt  }
0x5b: {  	_ =	shalt  }
0x5c: {  	_ =	shalt  }
0x5d: {  	_ =	shalt  }
0x5e: {  	_ =	shalt  }
0x5f: {  	_ =	shalt  }
0x60: {  	_ =	shalt  }
0x61: {  	_ =	shalt  }
0x62: {  	_ =	shalt  }
0x63: {  	_ =	shalt  }
0x64: {  	_ =	shalt  }
0x65: {  	_ =	shalt  }
0x66: {  	_ =	shalt  }
0x67: {  	_ =	shalt  }
0x68: {  	_ =	shalt  }
0x69: {  	_ =	shalt  }
0x6a: {  	_ =	shalt  }
0x6b: {  	_ =	shalt  }
0x6c: {  	_ =	shalt  }
0x6d: {  	_ =	shalt  }
0x6e: {  	_ =	shalt  }
0x6f: {  	_ =	shalt  }
0x70: {  	_ =	shalt  }
0x71: {  	_ =	shalt  }
0x72: {  	_ =	shalt  }
0x73: {  	_ =	shalt  }
0x74: {  	_ =	shalt  }
0x75: {  	_ =	shalt  }
0x76: {  	_ =	shalt  }
0x77: {  	_ =	shalt  }
0x78: {  	_ =	shalt  }
0x79: {  	_ =	shalt  }
0x7a: {  	_ =	shalt  }
0x7b: {  	_ =	shalt  }
0x7c: {  	_ =	shalt  }
0x7d: {  	_ =	shalt  }
0x7e: {  	_ =	shalt  }
0x7f: {  	_ =	shalt  }
0x80: {  	_ =	shalt  }
0x81: {  	_ =	shalt  }
0x82: {  	_ =	shalt  }
0x83: {  	_ =	shalt  }
0x84: {  	_ =	shalt  }
0x85: {  	_ =	shalt  }
0x86: {  	_ =	shalt  }
0x87: {  	_ =	shalt  }
.Lfunc_end0:
.L_simem_size_0:
called_computation.2_lowered:
.L_overlay_start_0:
0x88: {  	s2 =	sld [smem:$0x3FD9]  }
0x89: {  	s3 =	sld [smem:$0x3FFE];
	_ =	sdelay $0x1  }
0x8a: {  	s1 =	srdreg.scid  }
0x8b: {  	s0 =	sand.u32 $0x1, s1  }
0x8c: {  	s17 =	sshll.u32 s0, $0xA;
	s2 =	sadd.s32 s3, s2  }
0x8d: {  	s2 =	sadd.s32 s2, s17  }
0x8e: {  	[smem:$0x3FC2] =	sst s2  }
0x8f: {  	_ = 	snop  }
0x90: {  	s2 =	sld [smem:$0x3FD0];
	(tm) =	ssettm $0x1  }
0x91: {  	s18 =	sld [smem:$0x3FFB];
	_ =	sdelay $0x3  }
0x92: {  	_ =	strace s18  }
0x93: {  	s3 =	sld [smem:$0x3FFC];
	_ =	sdelay $0x3  }
0x94: {  	_ =	strace s3  }
0x95: {  	s3 =	sld [smem:$0x3FFD];
	_ =	sdelay $0x3  }
0x96: {  	_ =	strace s3  }
0x97: {  	_ =	strace $0x8FFFFFFF  }
0x98: {  	s19 =	sld [smem:$0x3FDB];
	_ =	sdelay $0x1  }
0x99: {  	s4 =	simm.s32 $_scs_section_size  }
0x9a: {  	s5 =	simm.s32 $_size__tile_overlayer_lowered;
	s6 =	simm.s32 $_tile_overlayer_lowered  }
0x9b: {  	s22 =	simm.s32 $0x1BFF;
	s21 =	sshll.u32 s6, $0x1;
	s3 =	sadd.s32 s4, s19  }
0x9c: {  	s7 =	simm.s32 $0x0;
	s20 =	sshll.u32 s5, $0x1;
	s5 =	sadd.s32 s21, s3  }
0x9d: {  	[timem:s7], [sflag:s22] =	dma.local [hbm:s5], s20  }
0x9e: {  	_ =	swait.ge [sflag:s22], s20  }
0x9f: {  	s4 =	ssub.s32 $0x0, s20;
	[sflag:s22] =	ssyncset.done $0x0  }
0xa0: {  	[sflag:s22] =	ssyncadd.s32 s4;
	_ =	sdelay $0x1  }
0xa1: {  	s23 =	simm.s32 $0x1B8B  }
0xa2: {  	_ =	swait.ge [sflag:s23], $0x1  }
0xa3: {  	[sflag:s23] =	ssyncset.done $0x0  }
0xa4: {  	s25 =	simm.s32 $0x1B8E;
	s24 =	sld [smem:$0x3FFE];
	[sflag:s23] =	ssyncadd.s32 $0xFFFFFFFF  }
0xa5: {  	s26 =	simm.s32 $execute0_lowered;
	[smem:$0x3FD2] =	sst s25  }
0xa6: {  	s5 =	sshll.u32 s26, $0x1;
	_ =	strace $0x8000004C;
	[dreg:$0x1] =	wrdreg $0xFFFFFFFF  }
0xa7: {  	s28 =	simm.s32 $_size_execute0_lowered;
	s3 =	sadd.s32 s3, s5;
	[dreg:$0x0] =	wrdreg $0x0  }
0xa8: {  	s5 =	sshll.u32 s28, $0x1;
	[dreg:$0x2] =	wrdreg s3  }
0xa9: {  	[dreg:$0x3] =	wrdreg s5  }
0xaa: {  	[dreg:$0x4] =	wrdreg $0xC0  }
0xab: {  	_ =	task [dreg:s7], $0x5FFFF  }
0xac: {  	[dreg:$0x1] =	wrdreg $0xFFFFFFFF  }
0xad: {  	[dreg:$0x0] =	wrdreg $0x60  }
0xae: {  	[dreg:$0x2] =	wrdreg s2  }
0xaf: {  	[dreg:$0x3] =	wrdreg s24  }
0xb0: {  	[dreg:$0x4] =	wrdreg $0x60000  }
0xb1: {  	[dreg:$0x5] =	wrdreg $0x87800  }
0xb2: {  	[dreg:$0x6] =	wrdreg $0x9  }
0xb3: {  	_ =	task.clear_ibuf [dreg:s7], $0x7FFFF;
	_ =	strace $0x9000004C  }
0xb4: {  	s29 =	simm.s32 $0x9;
	_ =	strace $0x8000004E  }
0xb5: {  	_ =	swait.ge [sflag:s29], $0x1  }
0xb6: {  	[sflag:s29] =	ssyncadd.s32 $0xFFFFFFFF  }
0xb7: {  	_ =	strace $0x9000004E  }
0xb8: {  	_ =	sfence  }
0xb9: {  	s30 =	sld [smem:$0x0];
	_ =	sdelay $0x2  }
0xba: {  	s31 =	sshll.u32 s1, $0xD;
	s1 =	sshrl.u32 s1, $0x2  }
0xbb: {  	s3 =	sand.u32 $0x4000, s31;
	s1 =	sadd.s32 s1, s30  }
0xbc: {  	s0 =	sor.u32 s3, s0;
	s1 =	sshll.u32 s1, $0x11  }
0xbd: {  	s0 =	sor.u32 s1, s0  }
0xbe: {  	s0 =	sadd.s32 $0x8F2B, s0  }
0xbf: {  	[sflag:s0] =	ssyncadd.remote.s32 $0x1  }
0xc0: {  	_ =	sfence.sel $0xFFFF  }
0xc1: {  	[dreg:$0x0] =	wrdreg $0xFFFFFFFF;
	(pc) =	sbr.abs _section_cstart, $3  }
0xc2: {  	[dreg:$0x1] =	wrdreg $0xFFFFFFFF  }
0xc3: {  	_ =	task.clear_ibuf [dreg:s7], $0x2FFFF;
	_ =	strace $0x9FFFFFFF  }
0xc4: {  	(tm) =	ssettm $0x7FFFFFFF  }
0xc5: {  	_ =	shalt  }
tec
execute0_lowered:
.L_overlay_start_1:
0x0: {  	(tag) =	ssettag $0x1  }
0x1: {  	s5 =	rddreg [dreg:$0x0]  }
0x2: {  	s6 =	rddreg [dreg:$0x1]  }
0x3: {  	s2 =	rddreg [dreg:$0x2]  }
0x4: {  	s0 =	srdreg.scid;
	s3 =	rddreg [dreg:$0x3]  }
0x5: {  	s1 =	stileid.u32;
	s4 =	simm.s32 $0x0;
	s17 =	simm.s32 $0x80  }
0x6: {  	s18 =	simm.s32 $0x5000;
	s19 =	simm.s32 $0x5800;
	s20 =	simm.s32 $0x1  }
0x7: {  	s21 =	simm.s32 $0x2;
	s22 =	simm.s32 $0x4F00;
	s23 =	simm.s32 $0x4F80  }
0x8: {  	s24 =	simm.s32 $0x0;
	s7 =	sand.u32 $0x1, s0;
	s0 =	rddreg [dreg:$0x4]  }
0x9: {  	s9 =	smul.u32 $0x2780, s1;
	[smem:$0x7FF] =	sst s4;
	s11 =	sadd.s32 $0xBC00, s6  }
0xa: {  	s12 =	sadd.s32 $0x1400, s6;
	s29 =	sshll.u32 s1, $0x6;
	s14 =	smul.u32 $0x5000, s1  }
0xb: {  	s8 =	smul.u32 $0x27800, s7;
	_ =	strace $0x8000004D;
	s7 =	ssub.s32 $0x2, s7  }
0xc: {  	s28 =	sshrl.u32 s7, $0x1;
	s15 =	sadd.s32 s9, s2;
	s16 =	sadd.s32 s9, s3  }
0xd: {  	s30 =	sshrl.u32 s14, $0x3;
	s14 =	simm.s32 $0x3;
	s8 =	sadd.s32 s9, s8  }
0xe: {  	s13 =	ssub.s32 s7, s28;
	s31 =	sadd.s32 $0x500, s30;
	s8 =	sshrl.u32 s8, $0x3  }
0xf: {  	s9 =	sadd.s32 s11, s30;
	s11 =	sadd.s32 s11, s31;
	s10 =	sadd.s32 s8, s6  }
0x10: {  	s5 =	sadd.s32 s5, s8;
	s6 =	sor.u32 $0x1C03, s29;
	s8 =	smax.u32 s13, $0x1  }
0x11: {  	s13 =	sshrl.u32 s15, $0x3;
	s15 =	sshrl.u32 s16, $0x3;
	s16 =	simm.s32 $0x2800  }
0x12: {  	s7 =	sadd.s32 $0x64C00, s10;
	s10 =	sadd.s32 s12, s30;
	s12 =	sadd.s32 s12, s31  }
.LBB2_1:
0x13: {  	[spmem:s13], [sflag:s6] =	dma.local [hbm:s5], $0x4F0  }
0x14: {  	_ =	swait.ge [sflag:s14], $0x4F0  }
0x15: {  	[sflag:s14] =	ssyncset.done $0x0  }
0x16: {  	[sflag:s14] =	ssyncadd.s32 $0xFFFFFB10  }
0x17: {  	[spmem:s15], [sflag:s6] =	dma.local [hbm:s5], $0x4F0  }
0x18: {  	_ =	swait.ge [sflag:s14], $0x4F0  }
0x19: {  	[sflag:s14] =	ssyncset.done $0x0  }
0x1a: {  	[sflag:s14] =	ssyncadd.s32 $0xFFFFFB10  }
0x1b: {  	[bflag:$0x0] =	sbarrier.arrive $0xFFFF  }
0x1c: {  	[tilespmem:s4], [sflag:$0x3] =	stream.linear.gather [hbm4b:s9+s4], $0x2800, $0x38;
	[tilespmem:$0xAF00] =	vst v63  }
0x1d: {  	_ =	swait.ge [sflag:s14], $0x2800  }
0x1e: {  	[sflag:s14] =	ssyncset.done $0x0  }
0x1f: {  	[sflag:s14] =	ssyncadd.s32 $0xFFFFD800  }
0x20: {  	[tilespmem:s16], [sflag:$0x3] =	stream.linear.gather [hbm4b:s10+s4], $0x2800, $0x38;
	[tilespmem:$0xAF00] =	vst v63  }
0x21: {  	_ =	swait.ge [sflag:s14], $0x2800  }
0x22: {  	[sflag:s14] =	ssyncset.done $0x0  }
0x23: {  	[sflag:s14] =	ssyncadd.s32 $0xFFFFD800  }
0x24: {  	[tilespmem:s18], [sflag:$0x1] =	stream.indirect.gather [spmem:s2], $0x10, s4, s17, $0xb8;
	[tilespmem:$0xAF00] =	vst v63  }
0x25: {  	_ = 	snop  }
0x26: {  	[tilespmem:s19], [sflag:$0x2] =	stream.indirect.gather [spmem:s2], $0x10, s17, s17, $0xb8;
	[tilespmem:$0xAF00] =	vst v63  }
0x27: {  	_ =	swait.ge [sflag:s20], $0x800  }
0x28: {  	[sflag:s20] =	ssyncset.done $0x0  }
0x29: {  	s25 =	simm.s32 $0x2800;
	[sflag:s20] =	ssyncadd.s32 $0xFFFFF800  }
0x2a: {  	[spmem:s3] =	stream.indirect.scatter.add.f32 [tilespmem:s18], [sflag:$0x3], $0x10, s25, s17, $0xb8;
	[tilespmem:$0xAF00] =	vst v63  }
0x2b: {  	_ =	swait.ge [sflag:s14], $0x800  }
0x2c: {  	[sflag:s14] =	ssyncset.done $0x0  }
0x2d: {  	s30 =	simm.s32 $0x100;
	[sflag:s14] =	ssyncadd.s32 $0xFFFFF800  }
0x2e: {  	[tilespmem:s18], [sflag:$0x1] =	stream.indirect.gather [spmem:s2], $0x10, s30, s17, $0xb8;
	[tilespmem:$0xAF00] =	vst v63  }
0x2f: {  	_ =	swait.ge [sflag:s21], $0x800  }
0x30: {  	[sflag:s21] =	ssyncset.done $0x0  }
0x31: {  	s31 =	simm.s32 $0x2880;
	[sflag:s21] =	ssyncadd.s32 $0xFFFFF800  }
0x32: {  	[spmem:s3] =	stream.indirect.scatter.add.f32 [tilespmem:s19], [sflag:$0x3], $0x10, s31, s17, $0xb8;
	[tilespmem:$0xAF00] =	vst v63  }
0x33: {  	_ =	swait.ge [sflag:s14], $0x800  }
0x34: {  	[sflag:s14] =	ssyncset.done $0x0  }
0x35: {  	s26 =	simm.s32 $0x180;
	s25 =	simm.s32 $0x400;
	[sflag:s14] =	ssyncadd.s32 $0xFFFFF800  }
.LBB2_2:
0x36: {  	[tilespmem:s19], [sflag:$0x2] =	stream.indirect.gather [spmem:s2], $0x10, s26, s17, $0xb8;
	[tilespmem:$0xAF00] =	vst v63  }
0x37: {  	s26 =	smov.u32 s25  }
0x38: {  	p0 =	sne.s32 s25, $0x9800;
	s25 =	sadd.s32 $0x400, s25;
	_ =	swait.ge [sflag:s20], $0x800  }
0x39: {  	s26 =	sshra.s32 s26, $0x2;
	[sflag:s20] =	ssyncset.done $0x0  }
0x3a: {  	s28 =	sadd.s32 $0x2800, s26;
	[sflag:s20] =	ssyncadd.s32 $0xFFFFF800  }
0x3b: {  	[spmem:s3] =	stream.indirect.scatter.add.f32 [tilespmem:s18], [sflag:$0x3], $0x10, s28, s17, $0xb8;
	[tilespmem:$0xAF00] =	vst v63  }
0x3c: {  	_ =	swait.ge [sflag:s14], $0x800  }
0x3d: {  	[sflag:s14] =	ssyncset.done $0x0  }
0x3e: {  	s28 =	sadd.s32 $0x100, s26;
	[sflag:s14] =	ssyncadd.s32 $0xFFFFF800  }
0x3f: {  	[tilespmem:s18], [sflag:$0x1] =	stream.indirect.gather [spmem:s2], $0x10, s28, s17, $0xb8;
	[tilespmem:$0xAF00] =	vst v63  }
0x40: {  	_ =	swait.ge [sflag:s21], $0x800  }
0x41: {  	[sflag:s21] =	ssyncset.done $0x0  }
.Ltmp0:
0x42: {  	s28 =	sadd.s32 $0x2880, s26;
	[sflag:s21] =	ssyncadd.s32 $0xFFFFF800;
	(pc) =	sbr.rel @p0 .LBB2_2-.Ltmp0, $4  }
0x43: {  	[spmem:s3] =	stream.indirect.scatter.add.f32 [tilespmem:s19], [sflag:$0x3], $0x10, s28, s17, $0xb8;
	[tilespmem:$0xAF00] =	vst v63  }
0x44: {  	_ =	swait.ge [sflag:s14], $0x800  }
0x45: {  	[sflag:s14] =	ssyncset.done $0x0  }
0x46: {  	s26 =	sadd.s32 $0x180, s26;
	[sflag:s14] =	ssyncadd.s32 $0xFFFFF800  }
0x47: {  	[tilespmem:s19], [sflag:$0x2] =	stream.indirect.gather [spmem:s2], $0x10, s26, s17, $0xb8;
	[tilespmem:$0xAF00] =	vst v63  }
0x48: {  	_ =	swait.ge [sflag:s20], $0x800  }
0x49: {  	[sflag:s20] =	ssyncset.done $0x0  }
0x4a: {  	[sflag:s20] =	ssyncadd.s32 $0xFFFFF800  }
0x4b: {  	[spmem:s3] =	stream.indirect.scatter.add.f32 [tilespmem:s18], [sflag:$0x3], $0x10, s22, s17, $0xb8;
	[tilespmem:$0xAF00] =	vst v63  }
0x4c: {  	_ =	swait.ge [sflag:s14], $0x800  }
0x4d: {  	[sflag:s14] =	ssyncset.done $0x0  }
0x4e: {  	[sflag:s14] =	ssyncadd.s32 $0xFFFFF800  }
0x4f: {  	_ =	swait.ge [sflag:s21], $0x800  }
0x50: {  	[sflag:s21] =	ssyncset.done $0x0  }
0x51: {  	[sflag:s21] =	ssyncadd.s32 $0xFFFFF800  }
0x52: {  	[spmem:s3] =	stream.indirect.scatter.add.f32 [tilespmem:s19], [sflag:$0x3], $0x10, s23, s17, $0xb8;
	[tilespmem:$0xAF00] =	vst v63  }
0x53: {  	_ =	swait.ge [sflag:s14], $0x800  }
0x54: {  	[sflag:s14] =	ssyncset.done $0x0  }
0x55: {  	s25 =	simm.s32 $0x0;
	[sflag:s14] =	ssyncadd.s32 $0xFFFFF800  }
0x56: {  	[tilespmem:s25], [sflag:$0x3] =	stream.linear.gather [hbm4b:s11+s25], $0x2800, $0x38;
	[tilespmem:$0xAF00] =	vst v63  }
0x57: {  	_ =	swait.ge [sflag:s14], $0x2800  }
0x58: {  	[sflag:s14] =	ssyncset.done $0x0  }
0x59: {  	[sflag:s14] =	ssyncadd.s32 $0xFFFFD800  }
0x5a: {  	[tilespmem:s16], [sflag:$0x3] =	stream.linear.gather [hbm4b:s12+s25], $0x2800, $0x38;
	[tilespmem:$0xAF00] =	vst v63  }
0x5b: {  	_ =	swait.ge [sflag:s14], $0x2800  }
0x5c: {  	[sflag:s14] =	ssyncset.done $0x0  }
0x5d: {  	[sflag:s14] =	ssyncadd.s32 $0xFFFFD800  }
0x5e: {  	[tilespmem:s18], [sflag:$0x1] =	stream.indirect.gather [spmem:s2], $0x10, s25, s17, $0xb8;
	[tilespmem:$0xAF00] =	vst v63  }
0x5f: {  	_ = 	snop  }
0x60: {  	[tilespmem:s19], [sflag:$0x2] =	stream.indirect.gather [spmem:s2], $0x10, s17, s17, $0xb8;
	[tilespmem:$0xAF00] =	vst v63  }
0x61: {  	_ =	swait.ge [sflag:s20], $0x800  }
0x62: {  	[sflag:s20] =	ssyncset.done $0x0  }
0x63: {  	s29 =	simm.s32 $0x2800;
	[sflag:s20] =	ssyncadd.s32 $0xFFFFF800  }
0x64: {  	[spmem:s3] =	stream.indirect.scatter.add.f32 [tilespmem:s18], [sflag:$0x3], $0x10, s29, s17, $0xb8;
	[tilespmem:$0xAF00] =	vst v63  }
0x65: {  	_ =	swait.ge [sflag:s14], $0x800  }
0x66: {  	[sflag:s14] =	ssyncset.done $0x0  }
0x67: {  	s30 =	simm.s32 $0x100;
	[sflag:s14] =	ssyncadd.s32 $0xFFFFF800  }
0x68: {  	[tilespmem:s18], [sflag:$0x1] =	stream.indirect.gather [spmem:s2], $0x10, s30, s17, $0xb8;
	[tilespmem:$0xAF00] =	vst v63  }
0x69: {  	_ =	swait.ge [sflag:s21], $0x800  }
0x6a: {  	[sflag:s21] =	ssyncset.done $0x0  }
0x6b: {  	s31 =	simm.s32 $0x2880;
	[sflag:s21] =	ssyncadd.s32 $0xFFFFF800  }
0x6c: {  	[spmem:s3] =	stream.indirect.scatter.add.f32 [tilespmem:s19], [sflag:$0x3], $0x10, s31, s17, $0xb8;
	[tilespmem:$0xAF00] =	vst v63  }
0x6d: {  	_ =	swait.ge [sflag:s14], $0x800  }
0x6e: {  	[sflag:s14] =	ssyncset.done $0x0  }
0x6f: {  	s26 =	simm.s32 $0x180;
	s25 =	simm.s32 $0x400;
	[sflag:s14] =	ssyncadd.s32 $0xFFFFF800  }
.LBB2_4:
0x70: {  	[tilespmem:s19], [sflag:$0x2] =	stream.indirect.gather [spmem:s2], $0x10, s26, s17, $0xb8;
	[tilespmem:$0xAF00] =	vst v63  }
0x71: {  	s26 =	smov.u32 s25  }
0x72: {  	p0 =	sne.s32 s25, $0x9800;
	s25 =	sadd.s32 $0x400, s25;
	_ =	swait.ge [sflag:s20], $0x800  }
0x73: {  	s26 =	sshra.s32 s26, $0x2;
	[sflag:s20] =	ssyncset.done $0x0  }
0x74: {  	s28 =	sadd.s32 $0x2800, s26;
	[sflag:s20] =	ssyncadd.s32 $0xFFFFF800  }
0x75: {  	[spmem:s3] =	stream.indirect.scatter.add.f32 [tilespmem:s18], [sflag:$0x3], $0x10, s28, s17, $0xb8;
	[tilespmem:$0xAF00] =	vst v63  }
0x76: {  	_ =	swait.ge [sflag:s14], $0x800  }
0x77: {  	[sflag:s14] =	ssyncset.done $0x0  }
0x78: {  	s28 =	sadd.s32 $0x100, s26;
	[sflag:s14] =	ssyncadd.s32 $0xFFFFF800  }
0x79: {  	[tilespmem:s18], [sflag:$0x1] =	stream.indirect.gather [spmem:s2], $0x10, s28, s17, $0xb8;
	[tilespmem:$0xAF00] =	vst v63  }
0x7a: {  	_ =	swait.ge [sflag:s21], $0x800  }
0x7b: {  	[sflag:s21] =	ssyncset.done $0x0  }
.Ltmp1:
0x7c: {  	s28 =	sadd.s32 $0x2880, s26;
	[sflag:s21] =	ssyncadd.s32 $0xFFFFF800;
	(pc) =	sbr.rel @p0 .LBB2_4-.Ltmp1, $4  }
0x7d: {  	[spmem:s3] =	stream.indirect.scatter.add.f32 [tilespmem:s19], [sflag:$0x3], $0x10, s28, s17, $0xb8;
	[tilespmem:$0xAF00] =	vst v63  }
0x7e: {  	_ =	swait.ge [sflag:s14], $0x800  }
0x7f: {  	[sflag:s14] =	ssyncset.done $0x0  }
0x80: {  	s26 =	sadd.s32 $0x180, s26;
	[sflag:s14] =	ssyncadd.s32 $0xFFFFF800  }
0x81: {  	[tilespmem:s19], [sflag:$0x2] =	stream.indirect.gather [spmem:s2], $0x10, s26, s17, $0xb8;
	[tilespmem:$0xAF00] =	vst v63  }
0x82: {  	_ =	swait.ge [sflag:s20], $0x800  }
0x83: {  	[sflag:s20] =	ssyncset.done $0x0  }
0x84: {  	[sflag:s20] =	ssyncadd.s32 $0xFFFFF800  }
0x85: {  	[spmem:s3] =	stream.indirect.scatter.add.f32 [tilespmem:s18], [sflag:$0x3], $0x10, s22, s17, $0xb8;
	[tilespmem:$0xAF00] =	vst v63  }
0x86: {  	_ =	swait.ge [sflag:s14], $0x800  }
0x87: {  	[sflag:s14] =	ssyncset.done $0x0  }
0x88: {  	[sflag:s14] =	ssyncadd.s32 $0xFFFFF800  }
0x89: {  	_ =	swait.ge [sflag:s21], $0x800  }
0x8a: {  	[sflag:s21] =	ssyncset.done $0x0  }
0x8b: {  	[sflag:s21] =	ssyncadd.s32 $0xFFFFF800  }
0x8c: {  	[spmem:s3] =	stream.indirect.scatter.add.f32 [tilespmem:s19], [sflag:$0x3], $0x10, s23, s17, $0xb8;
	[tilespmem:$0xAF00] =	vst v63  }
0x8d: {  	_ =	swait.ge [sflag:s14], $0x800  }
0x8e: {  	s24 =	sadd.s32 $0x1, s24;
	[sflag:s14] =	ssyncset.done $0x0  }
0x8f: {  	p0 =	sne.s32 s24, s8;
	[sflag:s14] =	ssyncadd.s32 $0xFFFFF800  }
.Ltmp2:
0x90: {  	[bflag:$0x0] =	sbarrier.arrive $0xFFFF;
	(pc) =	sbr.rel @p0 .LBB2_1-.Ltmp2, $4  }
0x91: {  	[hbm:s7], [sflag:s6] =	dma.local [spmem:s15], $0x4F0  }
0x92: {  	_ =	swait.ge [sflag:s14], $0x4F0  }
0x93: {  	[sflag:s14] =	ssyncset.done $0x0  }
0x94: {  	[sflag:s14] =	ssyncadd.s32 $0xFFFFFB10  }
0x95: {  	_ =	sfence.sel $0x180000  }
0x96: {  	[bflag:$0x0] =	sbarrier.arrive $0xFFFF  }
0x97: {  	p0 =	sne.s32 s1, $0x0;
	_ =	strace $0x9000004D  }
0x98: {  	s0 =	sadd.s32 @!p0 $0x100000, s0;
	[bflag:$0x2] =	sbarrier.arrive $0xFFFF  }
0x99: {  	[sflag:s0] =	ssyncadd.tile.s32 @!p0 $0x1;
	_ =	shalt  }
.Lfunc_end2:
_tile_overlayer_lowered:
.L_overlay_start_2:
0x9a: {  	(tag) =	ssettag $0x2  }
0x9b: {  	s0 =	rddreg [dreg:$0x0];
	s2 =	stileid.u32  }
0x9c: {  	s1 =	rddreg [dreg:$0x1];
	p0 =	sne.s32 s2, $0x0  }
0x9d: {  	s3 =	rddreg [dreg:$0x2];
	[bflag:$0x3] =	sbarrier.arrive $0xFFFF;
	s2 =	simm.s32 @!p0 $0x1C03  }
0x9e: {  	[timem:s3], [sflag:s2] =	dma.local @!p0 [hbm:s0], s1  }
0x9f: {  	s0 =	simm.s32 @!p0 $0x3  }
0xa0: {  	_ =	swait.ge @!p0 [sflag:s0], s1  }
0xa1: {  	s1 =	ssub.s32 @!p0 $0x0, s1;
	[sflag:s0] =	ssyncset.done @!p0 $0x0  }
0xa2: {  	[sflag:s0] =	ssyncadd.s32 @!p0 s1  }
0xa3: {  	[bflag:$0x3] =	sbarrier.arrive $0xFFFF  }
0xa4: {  	_ =	shalt  }

// kernel: kernel.9.cloned.1.call-start
scs
__scs_entry_jumppad:
0x0: {  	(pc) =	sbr.rel $0x88, $3  }
0x1: {  	(tag) =	ssettag $0x0;
	lr =	simm.s32 $0x1  }
0x2: {  	[smem:$0x3F9B] =	sst lr;
	_ =	strace $0xD0000000  }
0x3: {  	_ = 	snop  }
0x4: {  	_ = 	snop  }
0x5: {  	_ = 	snop  }
0x6: {  	_ = 	snop  }
0x7: {  	_ = 	snop  }
__scs_overlays_trampoline_lowered:
0x8: {  	[smem:$0x3FAA] =	sst s0  }
0x9: {  	[smem:$0x3FAB] =	sst s1  }
0xa: {  	[smem:$0x3FAC] =	sst s2  }
0xb: {  	[smem:$0x3FAD] =	sst s3  }
0xc: {  	[smem:$0x3FAE] =	sst s4  }
0xd: {  	[smem:$0x3FAF] =	sst s5  }
0xe: {  	[smem:$0x3FB0] =	sst s6  }
0xf: {  	[smem:$0x3FB1] =	sst s7  }
0x10: {  	[smem:$0x3FB2] =	sst s8  }
0x11: {  	[smem:$0x3FB3] =	sst s9;
	s0 =	simm.s32 @!p0 $0x0  }
0x12: {  	s1 =	sld [smem:$0x3F99];
	s0 =	simm.s32 @p0 $0x1  }
0x13: {  	[smem:$0x3FB4] =	sst s0;
	s0 =	simm.s32 @!p1 $0x0  }
0x14: {  	s2 =	sld [smem:$0x3F98];
	s0 =	simm.s32 @p1 $0x1  }
0x15: {  	[smem:$0x3FB5] =	sst s0;
	s0 =	simm.s32 @!p2 $0x0  }
0x16: {  	s3 =	sld [smem:$0x3FDB];
	s0 =	simm.s32 @p2 $0x1  }
0x17: {  	s4 =	simm.s32 $0x1BF5;
	[smem:$0x3FB7] =	sst s0  }
0x18: {  	s0 =	sld [smem:$0x3F9A];
	_ =	swait.ge [sflag:s4], $0x0  }
0x19: {  	s7 =	sld [smem:$0x3F9B]  }
0x1a: {  	s8 =	sadd.s32 $0xFFFFE003, lr  }
0x1b: {  	s9 =	sadd.s32 $0xFFFFFEF7, lr;
	s5 =	simm.s32 $0xFFFFFFFF;
	p2 =	slt.u32 s8, $0xFFFFF086  }
0x1c: {  	p1 =	slt.u32 s9, $0xF7A;
	s5 =	simm.s32 @!p2 $0x0  }
0x1d: {  	s5 =	simm.s32 @p1 $0x1;
	p0 =	seq.s32 s7, s2  }
0x1e: {  	s7 =	smul.u32 @!p0 $0xF7A, s2;
	p2 =	seq.s32 @!p0 s5, $0x0  }
0x1f: {  	s9 =	smul.u32 $0xF7A, s1;
	s8 =	simm.s32 @!p0 $0x1BF5;
	p2 =	por !p2, p0  }
0x20: {  	[sflag:s8] =	ssyncset.s32 @!p0 $0xFFFFF086;
	s6 =	sadd.s32 @!p0 s3, s7;
	s7 =	simm.s32 @!p0 $0x108  }
0x21: {  	s3 =	sadd.s32 s3, s9;
	s6 =	sadd.s32 @!p0 $0x88, s6;
	s7 =	simm.s32 @p2 $0x1082  }
0x22: {  	[simem:s7], [sflag:s8] =	dma.local @!p0 [hbm:s6], $0xF7A  }
0x23: {  	s9 =	sor.u32 $0xD0000000, s2;
	s6 =	simm.s32 $0x108;
	_ =	swait.ge @!p0 [sflag:s8], $0x0  }
0x24: {  	s3 =	sadd.s32 $0x88, s3;
	s6 =	simm.s32 @!p1 $0x1082;
	[sflag:s4] =	ssyncset.s32 $0xFFFFF086  }
0x25: {  	[simem:s6], [sflag:s4] =	dma.local [hbm:s3], $0xF7A  }
0x26: {  	[smem:$0x3F9B] =	sst s1;
	(tag) =	ssettag s2;
	_ =	strace s9  }
0x27: {  	s1 =	sld [smem:$0x3FAB]  }
0x28: {  	s2 =	sld [smem:$0x3FAC]  }
0x29: {  	s4 =	sld [smem:$0x3FAE]  }
0x2a: {  	p0 =	seq.s32 s5, $0x0;
	s5 =	sld [smem:$0x3FAF]  }
0x2b: {  	s6 =	sld [smem:$0x3FB0]  }
0x2c: {  	s7 =	sld [smem:$0x3FB1]  }
0x2d: {  	s3 =	simm.s32 $0x108;
	s8 =	sld [smem:$0x3FB2]  }
0x2e: {  	s3 =	simm.s32 @!p0 $0x1082;
	s9 =	sld [smem:$0x3FB3]  }
0x2f: {  	lr =	sadd.s32 s0, s3;
	s0 =	sld [smem:$0x3FAA]  }
0x30: {  	s3 =	sld [smem:$0x3FAD]  }
0x31: {  	[smem:$0x3FB6] =	sst s10  }
0x32: {  	s10 =	sld [smem:$0x3FB4];
	_ =	sdelay $0x3  }
0x33: {  	p0 =	seq.s32 s10, $0x1;
	s10 =	sld [smem:$0x3FB6];
	_ =	sdelay $0x3  }
0x34: {  	[smem:$0x3FB6] =	sst s10  }
0x35: {  	s10 =	sld [smem:$0x3FB5];
	_ =	sdelay $0x3  }
0x36: {  	p1 =	seq.s32 s10, $0x1;
	s10 =	sld [smem:$0x3FB6];
	_ =	sdelay $0x3  }
0x37: {  	[smem:$0x3FB6] =	sst s10  }
0x38: {  	s10 =	sld [smem:$0x3FB7]  }
0x39: {  	_ = 	snop;
	(pc) =	sbr.ind lr, $3  }
0x3a: {  	_ = 	snop  }
0x3b: {  	_ = 	snop  }
0x3c: {  	p2 =	seq.s32 s10, $0x1;
	s10 =	sld [smem:$0x3FB6]  }
0x3d: {  	_ =	shalt  }
0x3e: {  	_ =	shalt  }
0x3f: {  	_ =	shalt  }
0x40: {  	_ =	shalt  }
0x41: {  	_ =	shalt  }
0x42: {  	_ =	shalt  }
0x43: {  	_ =	shalt  }
0x44: {  	_ =	shalt  }
0x45: {  	_ =	shalt  }
0x46: {  	_ =	shalt  }
0x47: {  	_ =	shalt  }
0x48: {  	_ =	shalt  }
0x49: {  	_ =	shalt  }
0x4a: {  	_ =	shalt  }
0x4b: {  	_ =	shalt  }
0x4c: {  	_ =	shalt  }
0x4d: {  	_ =	shalt  }
0x4e: {  	_ =	shalt  }
0x4f: {  	_ =	shalt  }
0x50: {  	_ =	shalt  }
0x51: {  	_ =	shalt  }
0x52: {  	_ =	shalt  }
0x53: {  	_ =	shalt  }
0x54: {  	_ =	shalt  }
0x55: {  	_ =	shalt  }
0x56: {  	_ =	shalt  }
0x57: {  	_ =	shalt  }
0x58: {  	_ =	shalt  }
0x59: {  	_ =	shalt  }
0x5a: {  	_ =	shalt  }
0x5b: {  	_ =	shalt  }
0x5c: {  	_ =	shalt  }
0x5d: {  	_ =	shalt  }
0x5e: {  	_ =	shalt  }
0x5f: {  	_ =	shalt  }
0x60: {  	_ =	shalt  }
0x61: {  	_ =	shalt  }
0x62: {  	_ =	shalt  }
0x63: {  	_ =	shalt  }
0x64: {  	_ =	shalt  }
0x65: {  	_ =	shalt  }
0x66: {  	_ =	shalt  }
0x67: {  	_ =	shalt  }
0x68: {  	_ =	shalt  }
0x69: {  	_ =	shalt  }
0x6a: {  	_ =	shalt  }
0x6b: {  	_ =	shalt  }
0x6c: {  	_ =	shalt  }
0x6d: {  	_ =	shalt  }
0x6e: {  	_ =	shalt  }
0x6f: {  	_ =	shalt  }
0x70: {  	_ =	shalt  }
0x71: {  	_ =	shalt  }
0x72: {  	_ =	shalt  }
0x73: {  	_ =	shalt  }
0x74: {  	_ =	shalt  }
0x75: {  	_ =	shalt  }
0x76: {  	_ =	shalt  }
0x77: {  	_ =	shalt  }
0x78: {  	_ =	shalt  }
0x79: {  	_ =	shalt  }
0x7a: {  	_ =	shalt  }
0x7b: {  	_ =	shalt  }
0x7c: {  	_ =	shalt  }
0x7d: {  	_ =	shalt  }
0x7e: {  	_ =	shalt  }
0x7f: {  	_ =	shalt  }
0x80: {  	_ =	shalt  }
0x81: {  	_ =	shalt  }
0x82: {  	_ =	shalt  }
0x83: {  	_ =	shalt  }
0x84: {  	_ =	shalt  }
0x85: {  	_ =	shalt  }
0x86: {  	_ =	shalt  }
0x87: {  	_ =	shalt  }
.Lfunc_end0:
.L_simem_size_0:
called_computation_lowered:
.L_overlay_start_0:
0x88: {  	s2 =	sld [smem:$0x3FD9]  }
0x89: {  	s3 =	sld [smem:$0x3FFE];
	_ =	sdelay $0x1  }
0x8a: {  	s1 =	srdreg.scid  }
0x8b: {  	s0 =	sand.u32 $0x1, s1  }
0x8c: {  	s17 =	sshll.u32 s0, $0xA;
	s2 =	sadd.s32 s3, s2  }
0x8d: {  	s2 =	sadd.s32 s2, s17  }
0x8e: {  	[smem:$0x3FC2] =	sst s2  }
0x8f: {  	_ = 	snop  }
0x90: {  	s2 =	sld [smem:$0x3FD0];
	(tm) =	ssettm $0x1  }
0x91: {  	s18 =	sld [smem:$0x3FFB];
	_ =	sdelay $0x3  }
0x92: {  	_ =	strace s18  }
0x93: {  	s3 =	sld [smem:$0x3FFC];
	_ =	sdelay $0x3  }
0x94: {  	_ =	strace s3  }
0x95: {  	s3 =	sld [smem:$0x3FFD];
	_ =	sdelay $0x3  }
0x96: {  	_ =	strace s3  }
0x97: {  	_ =	strace $0x8FFFFFFF  }
0x98: {  	s19 =	sld [smem:$0x3FDB];
	_ =	sdelay $0x1  }
0x99: {  	s4 =	simm.s32 $_scs_section_size  }
0x9a: {  	s5 =	simm.s32 $_size__tile_overlayer_lowered;
	s6 =	simm.s32 $_tile_overlayer_lowered  }
0x9b: {  	s22 =	simm.s32 $0x1BFF;
	s21 =	sshll.u32 s6, $0x1;
	s3 =	sadd.s32 s4, s19  }
0x9c: {  	s7 =	simm.s32 $0x0;
	s20 =	sshll.u32 s5, $0x1;
	s5 =	sadd.s32 s21, s3  }
0x9d: {  	[timem:s7], [sflag:s22] =	dma.local [hbm:s5], s20  }
0x9e: {  	_ =	swait.ge [sflag:s22], s20  }
0x9f: {  	s4 =	ssub.s32 $0x0, s20;
	[sflag:s22] =	ssyncset.done $0x0  }
0xa0: {  	[sflag:s22] =	ssyncadd.s32 s4;
	_ =	sdelay $0x1  }
0xa1: {  	s23 =	simm.s32 $0x1B8B  }
0xa2: {  	_ =	swait.ge [sflag:s23], $0x1  }
0xa3: {  	[sflag:s23] =	ssyncset.done $0x0  }
0xa4: {  	s25 =	simm.s32 $0x1B8E;
	s24 =	sld [smem:$0x3FFE];
	[sflag:s23] =	ssyncadd.s32 $0xFFFFFFFF  }
0xa5: {  	s26 =	simm.s32 $execute0_lowered;
	[smem:$0x3FD2] =	sst s25  }
0xa6: {  	s5 =	sshll.u32 s26, $0x1;
	_ =	strace $0x80000046;
	[dreg:$0x1] =	wrdreg $0xFFFFFFFF  }
0xa7: {  	s28 =	simm.s32 $_size_execute0_lowered;
	s3 =	sadd.s32 s3, s5;
	[dreg:$0x0] =	wrdreg $0x0  }
0xa8: {  	s5 =	sshll.u32 s28, $0x1;
	[dreg:$0x2] =	wrdreg s3  }
0xa9: {  	[dreg:$0x3] =	wrdreg s5  }
0xaa: {  	[dreg:$0x4] =	wrdreg $0xC0  }
0xab: {  	_ =	task [dreg:s7], $0x5FFFF  }
0xac: {  	[dreg:$0x1] =	wrdreg $0xFFFFFFFF  }
0xad: {  	[dreg:$0x0] =	wrdreg $0x60  }
0xae: {  	[dreg:$0x2] =	wrdreg s24  }
0xaf: {  	[dreg:$0x3] =	wrdreg s2  }
0xb0: {  	[dreg:$0x4] =	wrdreg $0x30000  }
0xb1: {  	[dreg:$0x5] =	wrdreg $0x9  }
0xb2: {  	_ =	task.clear_ibuf [dreg:s7], $0x6FFFF;
	_ =	strace $0x90000046  }
0xb3: {  	s29 =	simm.s32 $0x9;
	_ =	strace $0x80000048  }
0xb4: {  	_ =	swait.ge [sflag:s29], $0x1  }
0xb5: {  	[sflag:s29] =	ssyncadd.s32 $0xFFFFFFFF  }
0xb6: {  	_ =	strace $0x90000048  }
0xb7: {  	_ =	sfence  }
0xb8: {  	s30 =	sld [smem:$0x0];
	_ =	sdelay $0x2  }
0xb9: {  	s31 =	sshll.u32 s1, $0xD;
	s1 =	sshrl.u32 s1, $0x2  }
0xba: {  	s3 =	sand.u32 $0x4000, s31;
	s1 =	sadd.s32 s1, s30  }
0xbb: {  	s0 =	sor.u32 s3, s0;
	s1 =	sshll.u32 s1, $0x11  }
0xbc: {  	s0 =	sor.u32 s1, s0  }
0xbd: {  	s0 =	sadd.s32 $0x8F2B, s0  }
0xbe: {  	[sflag:s0] =	ssyncadd.remote.s32 $0x1  }
0xbf: {  	_ =	sfence.sel $0xFFFF  }
0xc0: {  	[dreg:$0x0] =	wrdreg $0xFFFFFFFF;
	(pc) =	sbr.abs _section_cstart, $3  }
0xc1: {  	[dreg:$0x1] =	wrdreg $0xFFFFFFFF  }
0xc2: {  	_ =	task.clear_ibuf [dreg:s7], $0x2FFFF;
	_ =	strace $0x9FFFFFFF  }
0xc3: {  	(tm) =	ssettm $0x7FFFFFFF  }
tec
execute0_lowered:
.L_overlay_start_1:
0x0: {  	(tag) =	ssettag $0x1  }
0x1: {  	s5 =	rddreg [dreg:$0x0]  }
0x2: {  	s0 =	srdreg.scid;
	s7 =	rddreg [dreg:$0x1]  }
0x3: {  	s2 =	rddreg [dreg:$0x2];
	s3 =	simm.s32 $0x0;
	s13 =	simm.s32 $0x80  }
0x4: {  	s14 =	simm.s32 $0x1;
	s6 =	sand.u32 $0x1, s0;
	s0 =	stileid.u32  }
0x5: {  	s15 =	simm.s32 $0x2;
	s16 =	simm.s32 $0x0;
	s8 =	smul.u32 $0x2780, s0  }
0x6: {  	[smem:$0x7FF] =	sst s3;
	s1 =	sshll.u32 s6, $0x4;
	s9 =	smul.u32 $0x27800, s6  }
0x7: {  	s6 =	ssub.s32 $0x2, s6;
	s31 =	sshll.u32 s0, $0x6;
	s4 =	sor.u32 s0, s1  }
0x8: {  	s1 =	rddreg [dreg:$0x3];
	_ =	strace $0x80000047;
	s11 =	sshrl.u32 s6, $0x1  }
0x9: {  	s4 =	smul.u32 $0x500, s4;
	s9 =	sadd.s32 s8, s9;
	s11 =	ssub.s32 s6, s11  }
0xa: {  	s12 =	sadd.s32 s8, s2;
	s9 =	sshrl.u32 s9, $0x3;
	s8 =	smax.u32 s11, $0x1  }
0xb: {  	s11 =	sor.u32 $0x1C03, s31;
	s12 =	sshrl.u32 s12, $0x3;
	s10 =	sadd.s32 s4, s5  }
0xc: {  	s4 =	sadd.s32 $0xB400, s5;
	s5 =	sadd.s32 $0xB600, s5;
	s7 =	sadd.s32 s7, s9  }
0xd: {  	s9 =	simm.s32 $0x3;
	s6 =	sadd.s32 $0x1400, s10;
	s10 =	simm.s32 $0x2800  }
.LBB2_1:
0xe: {  	[tilespmem:s3], [sflag:$0x3] =	stream.linear.gather [hbm4b:s6+s3], $0x2800, $0x38;
	[tilespmem:$0x5780] =	vst v63  }
0xf: {  	_ =	swait.ge [sflag:s9], $0x2800  }
0x10: {  	[sflag:s9] =	ssyncset.done $0x0  }
0x11: {  	[sflag:s9] =	ssyncadd.s32 $0xFFFFD800  }
0x12: {  	[tilespmem:s10], [sflag:$0x3] =	stream.linear.gather [hbm4b:s4+s3], $0x800, $0x38;
	[tilespmem:$0x5780] =	vst v63  }
0x13: {  	_ =	swait.ge [sflag:s9], $0x800  }
0x14: {  	[sflag:s9] =	ssyncset.done $0x0  }
0x15: {  	[sflag:s9] =	ssyncadd.s32 $0xFFFFF800  }
0x16: {  	[spmem:s12], [sflag:s11] =	dma.local [hbm:s5], $0x4F0  }
0x17: {  	_ =	swait.ge [sflag:s9], $0x4F0  }
0x18: {  	[sflag:s9] =	ssyncset.done $0x0  }
0x19: {  	[sflag:s9] =	ssyncadd.s32 $0xFFFFFB10  }
0x1a: {  	[bflag:$0x0] =	sbarrier.arrive $0xFFFF  }
0x1b: {  	[spmem:s2] =	stream.indirect.scatter.add.f32 [tilespmem:s10], [sflag:$0x1], $0x10, s3, s13, $0xb8;
	[tilespmem:$0x5780] =	vst v63  }
0x1c: {  	_ = 	snop  }
0x1d: {  	[spmem:s2] =	stream.indirect.scatter.add.f32 [tilespmem:s10], [sflag:$0x2], $0x10, s13, s13, $0xb8;
	[tilespmem:$0x5780] =	vst v63  }
0x1e: {  	_ =	swait.ge [sflag:s14], $0x800  }
0x1f: {  	[sflag:s14] =	ssyncset.done $0x0  }
0x20: {  	s17 =	simm.s32 $0x100;
	[sflag:s14] =	ssyncadd.s32 $0xFFFFF800  }
0x21: {  	[spmem:s2] =	stream.indirect.scatter.add.f32 [tilespmem:s10], [sflag:$0x1], $0x10, s17, s13, $0xb8;
	[tilespmem:$0x5780] =	vst v63  }
0x22: {  	_ =	swait.ge [sflag:s15], $0x800  }
0x23: {  	[sflag:s15] =	ssyncset.done $0x0  }
0x24: {  	s18 =	simm.s32 $0x180;
	s17 =	simm.s32 $0xFFFF6800;
	[sflag:s15] =	ssyncadd.s32 $0xFFFFF800  }
.LBB2_2:
0x25: {  	[spmem:s2] =	stream.indirect.scatter.add.f32 [tilespmem:s10], [sflag:$0x2], $0x10, s18, s13, $0xb8;
	[tilespmem:$0x5780] =	vst v63  }
0x26: {  	s18 =	smov.u32 s17  }
0x27: {  	p0 =	sne.s32 s17, $0xFFFFFC00;
	s17 =	sadd.s32 $0x400, s17;
	_ =	swait.ge [sflag:s14], $0x800  }
0x28: {  	s18 =	sshra.s32 s18, $0x2;
	[sflag:s14] =	ssyncset.done $0x0  }
.Ltmp0:
0x29: {  	s19 =	sadd.s32 $0x2800, s18;
	[sflag:s14] =	ssyncadd.s32 $0xFFFFF800;
	(pc) =	sbr.rel @p0 .LBB2_2-.Ltmp0, $4  }
0x2a: {  	[spmem:s2] =	stream.indirect.scatter.add.f32 [tilespmem:s10], [sflag:$0x1], $0x10, s19, s13, $0xb8;
	[tilespmem:$0x5780] =	vst v63  }
0x2b: {  	_ =	swait.ge [sflag:s15], $0x800  }
0x2c: {  	[sflag:s15] =	ssyncset.done $0x0  }
0x2d: {  	s18 =	sadd.s32 $0x2880, s18;
	[sflag:s15] =	ssyncadd.s32 $0xFFFFF800  }
0x2e: {  	[spmem:s2] =	stream.indirect.scatter.add.f32 [tilespmem:s10], [sflag:$0x2], $0x10, s18, s13, $0xb8;
	[tilespmem:$0x5780] =	vst v63  }
0x2f: {  	_ =	swait.ge [sflag:s14], $0x800  }
0x30: {  	[sflag:s14] =	ssyncset.done $0x0  }
0x31: {  	[sflag:s14] =	ssyncadd.s32 $0xFFFFF800  }
0x32: {  	_ =	swait.ge [sflag:s15], $0x800  }
0x33: {  	s16 =	sadd.s32 $0x1, s16;
	[sflag:s15] =	ssyncset.done $0x0  }
0x34: {  	p0 =	sne.s32 s16, s8;
	[sflag:s15] =	ssyncadd.s32 $0xFFFFF800  }
.Ltmp1:
0x35: {  	[bflag:$0x0] =	sbarrier.arrive $0xFFFF;
	(pc) =	sbr.rel @p0 .LBB2_1-.Ltmp1, $4  }
0x36: {  	[hbm:s7], [sflag:s11] =	dma.local [spmem:s12], $0x4F0  }
0x37: {  	_ =	swait.ge [sflag:s9], $0x4F0  }
0x38: {  	[sflag:s9] =	ssyncset.done $0x0  }
0x39: {  	[sflag:s9] =	ssyncadd.s32 $0xFFFFFB10  }
0x3a: {  	_ =	sfence.sel $0x180000  }
0x3b: {  	[bflag:$0x0] =	sbarrier.arrive $0xFFFF  }
0x3c: {  	p0 =	sne.s32 s0, $0x0;
	_ =	strace $0x90000047  }
0x3d: {  	s0 =	sadd.s32 @!p0 $0x100000, s1;
	[bflag:$0x2] =	sbarrier.arrive $0xFFFF  }
0x3e: {  	[sflag:s0] =	ssyncadd.tile.s32 @!p0 $0x1;
	_ =	shalt  }
.Lfunc_end2:
_tile_overlayer_lowered:
.L_overlay_start_2:
0x3f: {  	(tag) =	ssettag $0x2  }
0x40: {  	s0 =	rddreg [dreg:$0x0];
	s2 =	stileid.u32  }
0x41: {  	s1 =	rddreg [dreg:$0x1];
	p0 =	sne.s32 s2, $0x0  }
0x42: {  	s3 =	rddreg [dreg:$0x2];
	[bflag:$0x3] =	sbarrier.arrive $0xFFFF;
	s2 =	simm.s32 @!p0 $0x1C03  }
0x43: {  	[timem:s3], [sflag:s2] =	dma.local @!p0 [hbm:s0], s1  }
0x44: {  	s0 =	simm.s32 @!p0 $0x3  }
0x45: {  	_ =	swait.ge @!p0 [sflag:s0], s1  }
0x46: {  	s1 =	ssub.s32 @!p0 $0x0, s1;
	[sflag:s0] =	ssyncset.done @!p0 $0x0  }
0x47: {  	[sflag:s0] =	ssyncadd.s32 @!p0 s1  }
0x48: {  	[bflag:$0x3] =	sbarrier.arrive $0xFFFF  }
0x49: {  	_ =	shalt  }

</sc_bundles>
